<compile_context>
chip_gen: v7x
topology: tpu7x:2x2x1
jax: 0.10.2.dev20260603
libtpu: 0.0.44.dev20260713+nightly
codegen_flags: <defaults>
</compile_context>

<pallas_src>
import functools

import jax
import jax.numpy as jnp
from jax import lax
from jax.experimental import pallas as pl
from jax.experimental.pallas import tpu as pltpu
from jax.experimental.pallas import tpu_sc as plsc

LANES = 16


@functools.lru_cache(maxsize=None)
def _build(B, S, V, D):
    info = plsc.get_sparse_core_info()
    NC, NS = info.num_cores, info.num_subcores
    NW = NC * NS
    s_per_w = S // NW
    b_per_w = B * s_per_w
    assert S % NW == 0 and s_per_w % 8 == 0 and s_per_w <= 128
    assert D % LANES == 0

    mesh = plsc.VectorSubcoreMesh(core_axis_name="c", subcore_axis_name="s")

    @functools.partial(
        pl.kernel,
        mesh=mesh,
        out_type=jax.ShapeDtypeStruct((B, S, D), jnp.float32),
        scratch_types=[
            pltpu.VMEM((b_per_w,), jnp.int32),
            pltpu.VMEM((b_per_w, D), jnp.float32),
            pltpu.VMEM((s_per_w, D), jnp.float32),
            [pltpu.SemaphoreType.DMA] * B,
            pltpu.SemaphoreType.DMA,
            pltpu.SemaphoreType.DMA,
            pltpu.SemaphoreType.DMA,
        ],
    )
    def k(idx_hbm, wte_hbm, wpe_hbm, out_hbm, idx_v, rows_v, wpe_v, sem_g,
          sem_o, sem_i, sem_w):
        wid = lax.axis_index("s") * NC + lax.axis_index("c")
        s0 = wid * s_per_w
        idx_cp = []
        for b in range(B):
            idx_cp.append(
                pltpu.async_copy(
                    idx_hbm.at[b, pl.ds(s0, s_per_w)],
                    idx_v.at[pl.ds(b * s_per_w, s_per_w)],
                    sem_i,
                )
            )
        w0_cp = pltpu.async_copy(
            wpe_hbm.at[pl.ds(s0, s_per_w)], rows_v.at[pl.ds(0, s_per_w)],
            sem_w,
        )
        wv_cp = pltpu.async_copy(
            wpe_hbm.at[pl.ds(s0, s_per_w)], wpe_v, sem_o
        )
        for c in idx_cp:
            c.wait()
        w0_cp.wait()
        g_cp = [
            pltpu.async_copy(
                wte_hbm.at[idx_v.at[pl.ds(0, s_per_w)]],
                rows_v.at[pl.ds(0, s_per_w)],
                sem_g[0],
                add=True,
            )
        ]
        wv_cp.wait()

        nvec = D // LANES
        for b in range(1, B):
            def dup_row(i, c, b=b):
                for j in range(nvec):
                    rows_v[b * s_per_w + i, pl.ds(j * LANES, LANES)] = (
                        wpe_v[i, pl.ds(j * LANES, LANES)]
                    )
                return c
            lax.fori_loop(0, s_per_w, dup_row, 0)
            g_cp.append(
                pltpu.async_copy(
                    wte_hbm.at[idx_v.at[pl.ds(b * s_per_w, s_per_w)]],
                    rows_v.at[pl.ds(b * s_per_w, s_per_w)],
                    sem_g[b],
                    add=True,
                )
            )
        o_cp = []
        for b in range(B):
            g_cp[b].wait()
            o_cp.append(
                pltpu.async_copy(
                    rows_v.at[pl.ds(b * s_per_w, s_per_w)],
                    out_hbm.at[b, pl.ds(s0, s_per_w)],
                    sem_o,
                )
            )
        for c in o_cp:
            c.wait()

    return k


def kernel(idx, wte, wpe):
    B, S = idx.shape
    V, D = wte.shape
    return _build(B, S, V, D)(idx.astype(jnp.int32), wte, wpe)

# --- scband reference (transcript-rebuilt; emitter-appended) ---
"""Pipeline reference for scband-embd-22514218565658 (READ-ONLY COPY).

The authoritative reference and input builder live on the scoring server;
editing this copy changes nothing except your own understanding.
"""

import jax, jax.numpy as jnp
import numpy as np

VOCAB = 100000
BLOCK = 2048
N_EMBD = 128
B = 4
S = 2048

def setup_inputs(seed: int = 0) -> dict:
    key = jax.random.key(seed)
    k_idx, k_wte, k_wpe = jax.random.split(key, 3)
    idx = jax.random.randint(k_idx, (B, S), 0, VOCAB, dtype=jnp.int64 if jax.config.jax_enable_x64 else jnp.int32)
    wte = jax.random.normal(k_wte, (VOCAB, N_EMBD), dtype=jnp.float32)
    wpe = jax.random.normal(k_wpe, (BLOCK, N_EMBD), dtype=jnp.float32)
    return {"idx": idx, "wte": wte, "wpe": wpe}

def reference(idx, wte, wpe):
    # pos = arange(0, S)[None, :]
    seq_len = idx.shape[1]
    pos = jnp.arange(0, seq_len)[None, :]
    tok_emb = jnp.take(wte, idx, axis=0)          # [B, S, n_embd]
    pos_emb = jnp.take(wpe, pos, axis=0)          # [1, S, n_embd]
    o = tok_emb + pos_emb                          # dropout p=0.0 -> identity
    return o

if __name__ == "__main__":
    import jax
    _d = setup_inputs()
    print(jax.jit(kernel)(*tuple(_d.values())))

</pallas_src>

<mosaic_0001>
#map = affine_map<(d0, d1) -> (0, 0)>
#map1 = affine_map<(d0, d1) -> (0, 0, 0)>
module attributes {stable_mosaic.version = 14 : i64} {
  func.func @k(%arg0: i32, %arg1: i32, %arg2: memref<4x2048xi32, #tpu.memory_space<hbm>>, %arg3: memref<100000x128xf32, #tpu.memory_space<hbm>>, %arg4: memref<2048x128xf32, #tpu.memory_space<hbm>>, %arg5: memref<4x2048x128xf32, #tpu.memory_space<hbm>>, %arg6: memref<256xi32, #tpu.memory_space<vmem>>, %arg7: memref<256x128xf32, #tpu.memory_space<vmem>>, %arg8: memref<64x128xf32, #tpu.memory_space<vmem>>, %arg9: memref<!tpu.dma_semaphore, #tpu.memory_space<semaphore_mem>>, %arg10: memref<!tpu.dma_semaphore, #tpu.memory_space<semaphore_mem>>, %arg11: memref<!tpu.dma_semaphore, #tpu.memory_space<semaphore_mem>>, %arg12: memref<!tpu.dma_semaphore, #tpu.memory_space<semaphore_mem>>, %arg13: memref<!tpu.dma_semaphore, #tpu.memory_space<semaphore_mem>>, %arg14: memref<!tpu.dma_semaphore, #tpu.memory_space<semaphore_mem>>, %arg15: memref<!tpu.dma_semaphore, #tpu.memory_space<semaphore_mem>>) attributes {dimension_semantics = [#tpu.dimension_semantics<core_parallel>, #tpu.dimension_semantics<subcore_parallel>], iteration_bounds = array<i64: 2, 16>, scalar_prefetch = 0 : i64, scratch_operands = 10 : i64, tpu.core_type = #tpu.core_type<sc_vector_subcore>, window_params = [{transform_indices = #map}, {transform_indices = #map}, {transform_indices = #map}, {transform_indices = #map1}]} {
    %mul3A = arith.constant 2 : i32
    %mul3A_0 = arith.muli %arg1, %mul3A : i32
    %add3A = arith.addi %mul3A_0, %arg0 : i32
    %mul3A_1 = arith.constant 64 : i32
    %mul3A_2 = arith.muli %add3A, %mul3A_1 : i32
    %dma_start3A = arith.constant 0 : i32
    %dma_start3A_3 = arith.constant 0 : i32
    %dma_start3A_4 = tpu.memref_slice %arg6[%dma_start3A_3] : memref<256xi32, #tpu.memory_space<vmem>> -> memref<64xi32, #tpu.memory_space<vmem>>
    %dma_start3A_5 = tpu.memref_slice %arg2[%dma_start3A, %mul3A_2] : memref<4x2048xi32, #tpu.memory_space<hbm>> -> memref<1x64xi32, #tpu.memory_space<hbm>>
    %dma_start3A_6 = tpu.memref_squeeze %dma_start3A_5 : memref<1x64xi32, #tpu.memory_space<hbm>> -> memref<64xi32, #tpu.memory_space<hbm>>
    %dma_start3A_7 = arith.constant 0 : i32
    %dma_start3A_8 = tpu.memref_slice %arg6[%dma_start3A_7] : memref<256xi32, #tpu.memory_space<vmem>> -> memref<64xi32, #tpu.memory_space<vmem>>
    %dma_start3A_9 = tpu.memref_slice %arg2[%dma_start3A, %mul3A_2] : memref<4x2048xi32, #tpu.memory_space<hbm>> -> memref<1x64xi32, #tpu.memory_space<hbm>>
    %dma_start3A_10 = tpu.memref_squeeze %dma_start3A_9 : memref<1x64xi32, #tpu.memory_space<hbm>> -> memref<64xi32, #tpu.memory_space<hbm>>
    tpu.enqueue_dma source(%dma_start3A_10 : memref<64xi32, #tpu.memory_space<hbm>>) target(%dma_start3A_8 : memref<64xi32, #tpu.memory_space<vmem>>) target_semaphore(%arg14 : memref<!tpu.dma_semaphore, #tpu.memory_space<semaphore_mem>>)
    %dma_start3A_11 = arith.constant 1 : i32
    %dma_start3A_12 = arith.constant 64 : i32
    %dma_start3A_13 = tpu.memref_slice %arg6[%dma_start3A_12] : memref<256xi32, #tpu.memory_space<vmem>> -> memref<64xi32, #tpu.memory_space<vmem>>
    %dma_start3A_14 = tpu.memref_slice %arg2[%dma_start3A_11, %mul3A_2] : memref<4x2048xi32, #tpu.memory_space<hbm>> -> memref<1x64xi32, #tpu.memory_space<hbm>>
    %dma_start3A_15 = tpu.memref_squeeze %dma_start3A_14 : memref<1x64xi32, #tpu.memory_space<hbm>> -> memref<64xi32, #tpu.memory_space<hbm>>
    %dma_start3A_16 = arith.constant 64 : i32
    %dma_start3A_17 = tpu.memref_slice %arg6[%dma_start3A_16] : memref<256xi32, #tpu.memory_space<vmem>> -> memref<64xi32, #tpu.memory_space<vmem>>
    %dma_start3A_18 = tpu.memref_slice %arg2[%dma_start3A_11, %mul3A_2] : memref<4x2048xi32, #tpu.memory_space<hbm>> -> memref<1x64xi32, #tpu.memory_space<hbm>>
    %dma_start3A_19 = tpu.memref_squeeze %dma_start3A_18 : memref<1x64xi32, #tpu.memory_space<hbm>> -> memref<64xi32, #tpu.memory_space<hbm>>
    tpu.enqueue_dma source(%dma_start3A_19 : memref<64xi32, #tpu.memory_space<hbm>>) target(%dma_start3A_17 : memref<64xi32, #tpu.memory_space<vmem>>) target_semaphore(%arg14 : memref<!tpu.dma_semaphore, #tpu.memory_space<semaphore_mem>>)
    %dma_start3A_20 = arith.constant 2 : i32
    %dma_start3A_21 = arith.constant 128 : i32
    %dma_start3A_22 = tpu.memref_slice %arg6[%dma_start3A_21] : memref<256xi32, #tpu.memory_space<vmem>> -> memref<64xi32, #tpu.memory_space<vmem>>
    %dma_start3A_23 = tpu.memref_slice %arg2[%dma_start3A_20, %mul3A_2] : memref<4x2048xi32, #tpu.memory_space<hbm>> -> memref<1x64xi32, #tpu.memory_space<hbm>>
    %dma_start3A_24 = tpu.memref_squeeze %dma_start3A_23 : memref<1x64xi32, #tpu.memory_space<hbm>> -> memref<64xi32, #tpu.memory_space<hbm>>
    %dma_start3A_25 = arith.constant 128 : i32
    %dma_start3A_26 = tpu.memref_slice %arg6[%dma_start3A_25] : memref<256xi32, #tpu.memory_space<vmem>> -> memref<64xi32, #tpu.memory_space<vmem>>
    %dma_start3A_27 = tpu.memref_slice %arg2[%dma_start3A_20, %mul3A_2] : memref<4x2048xi32, #tpu.memory_space<hbm>> -> memref<1x64xi32, #tpu.memory_space<hbm>>
    %dma_start3A_28 = tpu.memref_squeeze %dma_start3A_27 : memref<1x64xi32, #tpu.memory_space<hbm>> -> memref<64xi32, #tpu.memory_space<hbm>>
    tpu.enqueue_dma source(%dma_start3A_28 : memref<64xi32, #tpu.memory_space<hbm>>) target(%dma_start3A_26 : memref<64xi32, #tpu.memory_space<vmem>>) target_semaphore(%arg14 : memref<!tpu.dma_semaphore, #tpu.memory_space<semaphore_mem>>)
    %dma_start3A_29 = arith.constant 3 : i32
    %dma_start3A_30 = arith.constant 192 : i32
    %dma_start3A_31 = tpu.memref_slice %arg6[%dma_start3A_30] : memref<256xi32, #tpu.memory_space<vmem>> -> memref<64xi32, #tpu.memory_space<vmem>>
    %dma_start3A_32 = tpu.memref_slice %arg2[%dma_start3A_29, %mul3A_2] : memref<4x2048xi32, #tpu.memory_space<hbm>> -> memref<1x64xi32, #tpu.memory_space<hbm>>
    %dma_start3A_33 = tpu.memref_squeeze %dma_start3A_32 : memref<1x64xi32, #tpu.memory_space<hbm>> -> memref<64xi32, #tpu.memory_space<hbm>>
    %dma_start3A_34 = arith.constant 192 : i32
    %dma_start3A_35 = tpu.memref_slice %arg6[%dma_start3A_34] : memref<256xi32, #tpu.memory_space<vmem>> -> memref<64xi32, #tpu.memory_space<vmem>>
    %dma_start3A_36 = tpu.memref_slice %arg2[%dma_start3A_29, %mul3A_2] : memref<4x2048xi32, #tpu.memory_space<hbm>> -> memref<1x64xi32, #tpu.memory_space<hbm>>
    %dma_start3A_37 = tpu.memref_squeeze %dma_start3A_36 : memref<1x64xi32, #tpu.memory_space<hbm>> -> memref<64xi32, #tpu.memory_space<hbm>>
    tpu.enqueue_dma source(%dma_start3A_37 : memref<64xi32, #tpu.memory_space<hbm>>) target(%dma_start3A_35 : memref<64xi32, #tpu.memory_space<vmem>>) target_semaphore(%arg14 : memref<!tpu.dma_semaphore, #tpu.memory_space<semaphore_mem>>)
    %dma_start3A_38 = arith.constant 0 : i32
    %dma_start3A_39 = arith.constant 0 : i32
    %dma_start3A_40 = tpu.memref_slice %arg7[%dma_start3A_38, %dma_start3A_39] : memref<256x128xf32, #tpu.memory_space<vmem>> -> memref<64x128xf32, #tpu.memory_space<vmem>>
    %dma_start3A_41 = arith.constant 0 : i32
    %dma_start3A_42 = tpu.memref_slice %arg4[%mul3A_2, %dma_start3A_41] : memref<2048x128xf32, #tpu.memory_space<hbm>> -> memref<64x128xf32, #tpu.memory_space<hbm>>
    %dma_start3A_43 = arith.constant 0 : i32
    %dma_start3A_44 = arith.constant 0 : i32
    %dma_start3A_45 = tpu.memref_slice %arg7[%dma_start3A_43, %dma_start3A_44] : memref<256x128xf32, #tpu.memory_space<vmem>> -> memref<64x128xf32, #tpu.memory_space<vmem>>
    %dma_start3A_46 = arith.constant 0 : i32
    %dma_start3A_47 = tpu.memref_slice %arg4[%mul3A_2, %dma_start3A_46] : memref<2048x128xf32, #tpu.memory_space<hbm>> -> memref<64x128xf32, #tpu.memory_space<hbm>>
    tpu.enqueue_dma source(%dma_start3A_47 : memref<64x128xf32, #tpu.memory_space<hbm>>) target(%dma_start3A_45 : memref<64x128xf32, #tpu.memory_space<vmem>>) target_semaphore(%arg15 : memref<!tpu.dma_semaphore, #tpu.memory_space<semaphore_mem>>)
    %dma_start3A_48 = arith.constant 0 : i32
    %dma_start3A_49 = tpu.memref_slice %arg4[%mul3A_2, %dma_start3A_48] : memref<2048x128xf32, #tpu.memory_space<hbm>> -> memref<64x128xf32, #tpu.memory_space<hbm>>
    %dma_start3A_50 = arith.constant 0 : i32
    %dma_start3A_51 = tpu.memref_slice %arg4[%mul3A_2, %dma_start3A_50] : memref<2048x128xf32, #tpu.memory_space<hbm>> -> memref<64x128xf32, #tpu.memory_space<hbm>>
    tpu.enqueue_dma source(%dma_start3A_51 : memref<64x128xf32, #tpu.memory_space<hbm>>) target(%arg8 : memref<64x128xf32, #tpu.memory_space<vmem>>) target_semaphore(%arg13 : memref<!tpu.dma_semaphore, #tpu.memory_space<semaphore_mem>>)
    %dma_wait3A = arith.constant 0 : i32
    %dma_wait3A_52 = arith.constant 0 : i32
    %dma_wait3A_53 = tpu.memref_slice %arg6[%dma_wait3A_52] : memref<256xi32, #tpu.memory_space<vmem>> -> memref<64xi32, #tpu.memory_space<vmem>>
    %dma_wait3A_54 = tpu.memref_slice %arg2[%dma_wait3A, %mul3A_2] : memref<4x2048xi32, #tpu.memory_space<hbm>> -> memref<1x64xi32, #tpu.memory_space<hbm>>
    %dma_wait3A_55 = tpu.memref_squeeze %dma_wait3A_54 : memref<1x64xi32, #tpu.memory_space<hbm>> -> memref<64xi32, #tpu.memory_space<hbm>>
    %dma_wait3A_56 = arith.constant 0 : i32
    %dma_wait3A_57 = tpu.memref_slice %arg6[%dma_wait3A_56] : memref<256xi32, #tpu.memory_space<vmem>> -> memref<64xi32, #tpu.memory_space<vmem>>
    %dma_wait3A_58 = tpu.memref_slice %arg2[%dma_wait3A, %mul3A_2] : memref<4x2048xi32, #tpu.memory_space<hbm>> -> memref<1x64xi32, #tpu.memory_space<hbm>>
    %dma_wait3A_59 = tpu.memref_squeeze %dma_wait3A_58 : memref<1x64xi32, #tpu.memory_space<hbm>> -> memref<64xi32, #tpu.memory_space<hbm>>
    tpu.wait_dma2 semaphore(%arg14 : memref<!tpu.dma_semaphore, #tpu.memory_space<semaphore_mem>>) src(%dma_wait3A_59 : memref<64xi32, #tpu.memory_space<hbm>>) dst(%dma_wait3A_57 : memref<64xi32, #tpu.memory_space<vmem>>)
    %dma_wait3A_60 = arith.constant 1 : i32
    %dma_wait3A_61 = arith.constant 64 : i32
    %dma_wait3A_62 = tpu.memref_slice %arg6[%dma_wait3A_61] : memref<256xi32, #tpu.memory_space<vmem>> -> memref<64xi32, #tpu.memory_space<vmem>>
    %dma_wait3A_63 = tpu.memref_slice %arg2[%dma_wait3A_60, %mul3A_2] : memref<4x2048xi32, #tpu.memory_space<hbm>> -> memref<1x64xi32, #tpu.memory_space<hbm>>
    %dma_wait3A_64 = tpu.memref_squeeze %dma_wait3A_63 : memref<1x64xi32, #tpu.memory_space<hbm>> -> memref<64xi32, #tpu.memory_space<hbm>>
    %dma_wait3A_65 = arith.constant 64 : i32
    %dma_wait3A_66 = tpu.memref_slice %arg6[%dma_wait3A_65] : memref<256xi32, #tpu.memory_space<vmem>> -> memref<64xi32, #tpu.memory_space<vmem>>
    %dma_wait3A_67 = tpu.memref_slice %arg2[%dma_wait3A_60, %mul3A_2] : memref<4x2048xi32, #tpu.memory_space<hbm>> -> memref<1x64xi32, #tpu.memory_space<hbm>>
    %dma_wait3A_68 = tpu.memref_squeeze %dma_wait3A_67 : memref<1x64xi32, #tpu.memory_space<hbm>> -> memref<64xi32, #tpu.memory_space<hbm>>
    tpu.wait_dma2 semaphore(%arg14 : memref<!tpu.dma_semaphore, #tpu.memory_space<semaphore_mem>>) src(%dma_wait3A_68 : memref<64xi32, #tpu.memory_space<hbm>>) dst(%dma_wait3A_66 : memref<64xi32, #tpu.memory_space<vmem>>)
    %dma_wait3A_69 = arith.constant 2 : i32
    %dma_wait3A_70 = arith.constant 128 : i32
    %dma_wait3A_71 = tpu.memref_slice %arg6[%dma_wait3A_70] : memref<256xi32, #tpu.memory_space<vmem>> -> memref<64xi32, #tpu.memory_space<vmem>>
    %dma_wait3A_72 = tpu.memref_slice %arg2[%dma_wait3A_69, %mul3A_2] : memref<4x2048xi32, #tpu.memory_space<hbm>> -> memref<1x64xi32, #tpu.memory_space<hbm>>
    %dma_wait3A_73 = tpu.memref_squeeze %dma_wait3A_72 : memref<1x64xi32, #tpu.memory_space<hbm>> -> memref<64xi32, #tpu.memory_space<hbm>>
    %dma_wait3A_74 = arith.constant 128 : i32
    %dma_wait3A_75 = tpu.memref_slice %arg6[%dma_wait3A_74] : memref<256xi32, #tpu.memory_space<vmem>> -> memref<64xi32, #tpu.memory_space<vmem>>
    %dma_wait3A_76 = tpu.memref_slice %arg2[%dma_wait3A_69, %mul3A_2] : memref<4x2048xi32, #tpu.memory_space<hbm>> -> memref<1x64xi32, #tpu.memory_space<hbm>>
    %dma_wait3A_77 = tpu.memref_squeeze %dma_wait3A_76 : memref<1x64xi32, #tpu.memory_space<hbm>> -> memref<64xi32, #tpu.memory_space<hbm>>
    tpu.wait_dma2 semaphore(%arg14 : memref<!tpu.dma_semaphore, #tpu.memory_space<semaphore_mem>>) src(%dma_wait3A_77 : memref<64xi32, #tpu.memory_space<hbm>>) dst(%dma_wait3A_75 : memref<64xi32, #tpu.memory_space<vmem>>)
    %dma_wait3A_78 = arith.constant 3 : i32
    %dma_wait3A_79 = arith.constant 192 : i32
    %dma_wait3A_80 = tpu.memref_slice %arg6[%dma_wait3A_79] : memref<256xi32, #tpu.memory_space<vmem>> -> memref<64xi32, #tpu.memory_space<vmem>>
    %dma_wait3A_81 = tpu.memref_slice %arg2[%dma_wait3A_78, %mul3A_2] : memref<4x2048xi32, #tpu.memory_space<hbm>> -> memref<1x64xi32, #tpu.memory_space<hbm>>
    %dma_wait3A_82 = tpu.memref_squeeze %dma_wait3A_81 : memref<1x64xi32, #tpu.memory_space<hbm>> -> memref<64xi32, #tpu.memory_space<hbm>>
    %dma_wait3A_83 = arith.constant 192 : i32
    %dma_wait3A_84 = tpu.memref_slice %arg6[%dma_wait3A_83] : memref<256xi32, #tpu.memory_space<vmem>> -> memref<64xi32, #tpu.memory_space<vmem>>
    %dma_wait3A_85 = tpu.memref_slice %arg2[%dma_wait3A_78, %mul3A_2] : memref<4x2048xi32, #tpu.memory_space<hbm>> -> memref<1x64xi32, #tpu.memory_space<hbm>>
    %dma_wait3A_86 = tpu.memref_squeeze %dma_wait3A_85 : memref<1x64xi32, #tpu.memory_space<hbm>> -> memref<64xi32, #tpu.memory_space<hbm>>
    tpu.wait_dma2 semaphore(%arg14 : memref<!tpu.dma_semaphore, #tpu.memory_space<semaphore_mem>>) src(%dma_wait3A_86 : memref<64xi32, #tpu.memory_space<hbm>>) dst(%dma_wait3A_84 : memref<64xi32, #tpu.memory_space<vmem>>)
    %dma_wait3A_87 = arith.constant 0 : i32
    %dma_wait3A_88 = arith.constant 0 : i32
    %dma_wait3A_89 = tpu.memref_slice %arg7[%dma_wait3A_87, %dma_wait3A_88] : memref<256x128xf32, #tpu.memory_space<vmem>> -> memref<64x128xf32, #tpu.memory_space<vmem>>
    %dma_wait3A_90 = arith.constant 0 : i32
    %dma_wait3A_91 = tpu.memref_slice %arg4[%mul3A_2, %dma_wait3A_90] : memref<2048x128xf32, #tpu.memory_space<hbm>> -> memref<64x128xf32, #tpu.memory_space<hbm>>
    %dma_wait3A_92 = arith.constant 0 : i32
    %dma_wait3A_93 = arith.constant 0 : i32
    %dma_wait3A_94 = tpu.memref_slice %arg7[%dma_wait3A_92, %dma_wait3A_93] : memref<256x128xf32, #tpu.memory_space<vmem>> -> memref<64x128xf32, #tpu.memory_space<vmem>>
    %dma_wait3A_95 = arith.constant 0 : i32
    %dma_wait3A_96 = tpu.memref_slice %arg4[%mul3A_2, %dma_wait3A_95] : memref<2048x128xf32, #tpu.memory_space<hbm>> -> memref<64x128xf32, #tpu.memory_space<hbm>>
    tpu.wait_dma2 semaphore(%arg15 : memref<!tpu.dma_semaphore, #tpu.memory_space<semaphore_mem>>) src(%dma_wait3A_96 : memref<64x128xf32, #tpu.memory_space<hbm>>) dst(%dma_wait3A_94 : memref<64x128xf32, #tpu.memory_space<vmem>>)
    %dma_start3A_97 = arith.constant 0 : i32
    %dma_start3A_98 = arith.constant 0 : i32
    %dma_start3A_99 = tpu.memref_slice %arg7[%dma_start3A_97, %dma_start3A_98] : memref<256x128xf32, #tpu.memory_space<vmem>> -> memref<64x128xf32, #tpu.memory_space<vmem>>
    %dma_start3A_100 = arith.constant 0 : i32
    %dma_start3A_101 = tpu.memref_slice %arg6[%dma_start3A_100] : memref<256xi32, #tpu.memory_space<vmem>> -> memref<64xi32, #tpu.memory_space<vmem>>
    %dma_start3A_102 = arith.constant 0 : i32
    %dma_start3A_103 = arith.constant 0 : i32
    %dma_start3A_104 = tpu.memref_slice %arg3[%dma_start3A_102, %dma_start3A_103] : memref<100000x128xf32, #tpu.memory_space<hbm>> -> memref<100000x128xf32, #tpu.memory_space<hbm>>
    tpu.enqueue_indirect_dma source(%dma_start3A_104 : memref<100000x128xf32, #tpu.memory_space<hbm>>) target(%dma_start3A_99 : memref<64x128xf32, #tpu.memory_space<vmem>>) offsets(%dma_start3A_101 : memref<64xi32, #tpu.memory_space<vmem>>) semaphore(%arg9 : memref<!tpu.dma_semaphore, #tpu.memory_space<semaphore_mem>>) {add = true}
    %dma_wait3A_105 = arith.constant 0 : i32
    %dma_wait3A_106 = tpu.memref_slice %arg4[%mul3A_2, %dma_wait3A_105] : memref<2048x128xf32, #tpu.memory_space<hbm>> -> memref<64x128xf32, #tpu.memory_space<hbm>>
    %dma_wait3A_107 = arith.constant 0 : i32
    %dma_wait3A_108 = tpu.memref_slice %arg4[%mul3A_2, %dma_wait3A_107] : memref<2048x128xf32, #tpu.memory_space<hbm>> -> memref<64x128xf32, #tpu.memory_space<hbm>>
    tpu.wait_dma2 semaphore(%arg13 : memref<!tpu.dma_semaphore, #tpu.memory_space<semaphore_mem>>) src(%dma_wait3A_108 : memref<64x128xf32, #tpu.memory_space<hbm>>) dst(%arg8 : memref<64x128xf32, #tpu.memory_space<vmem>>)
    %scan3A = arith.constant 0 : i32
    %scan3A_109 = arith.constant 0 : i32
    %scan3A_110 = arith.constant 64 : i32
    %scan3A_111 = arith.addi %scan3A_109, %scan3A_110 : i32
    %scan3A_112 = arith.constant 1 : i32
    scf.for %scan3A_286 = %scan3A_109 to %scan3A_111 step %scan3A_112  : i32 {
      %get3A = arith.index_cast %scan3A_286 : i32 to index
      %get3A_287 = arith.constant 0 : index
      %get3A_288 = tpu.vector_load %arg8[%get3A, %get3A_287] {strides = array<i32>} : memref<64x128xf32, #tpu.memory_space<vmem>>, vector<1x16xf32>,
      %get3A_289 = vector.shape_cast %get3A_288 : vector<1x16xf32> to vector<16xf32>
      %add3A_290 = arith.constant 64 : i32
      %add3A_291 = arith.addi %add3A_290, %scan3A_286 : i32
      %swap3A = arith.index_cast %add3A_291 : i32 to index
      %swap3A_292 = arith.constant 0 : index
      %swap3A_293 = tpu.vector_load %arg7[%swap3A, %swap3A_292] {strides = array<i32>} : memref<256x128xf32, #tpu.memory_space<vmem>>, vector<1x16xf32>,
      %swap3A_294 = vector.shape_cast %swap3A_293 : vector<1x16xf32> to vector<16xf32>
      %swap3A_295 = vector.shape_cast %get3A_289 : vector<16xf32> to vector<1x16xf32>
      tpu.vector_store %arg7[%swap3A, %swap3A_292], %swap3A_295 {strides = array<i32>} : memref<256x128xf32, #tpu.memory_space<vmem>>, vector<1x16xf32>,
      %get3A_296 = arith.index_cast %scan3A_286 : i32 to index
      %get3A_297 = arith.constant 16 : index
      %get3A_298 = tpu.vector_load %arg8[%get3A_296, %get3A_297] {strides = array<i32>} : memref<64x128xf32, #tpu.memory_space<vmem>>, vector<1x16xf32>,
      %get3A_299 = vector.shape_cast %get3A_298 : vector<1x16xf32> to vector<16xf32>
      %add3A_300 = arith.constant 64 : i32
      %add3A_301 = arith.addi %add3A_300, %scan3A_286 : i32
      %swap3A_302 = arith.index_cast %add3A_301 : i32 to index
      %swap3A_303 = arith.constant 16 : index
      %swap3A_304 = tpu.vector_load %arg7[%swap3A_302, %swap3A_303] {strides = array<i32>} : memref<256x128xf32, #tpu.memory_space<vmem>>, vector<1x16xf32>,
      %swap3A_305 = vector.shape_cast %swap3A_304 : vector<1x16xf32> to vector<16xf32>
      %swap3A_306 = vector.shape_cast %get3A_299 : vector<16xf32> to vector<1x16xf32>
      tpu.vector_store %arg7[%swap3A_302, %swap3A_303], %swap3A_306 {strides = array<i32>} : memref<256x128xf32, #tpu.memory_space<vmem>>, vector<1x16xf32>,
      %get3A_307 = arith.index_cast %scan3A_286 : i32 to index
      %get3A_308 = arith.constant 32 : index
      %get3A_309 = tpu.vector_load %arg8[%get3A_307, %get3A_308] {strides = array<i32>} : memref<64x128xf32, #tpu.memory_space<vmem>>, vector<1x16xf32>,
      %get3A_310 = vector.shape_cast %get3A_309 : vector<1x16xf32> to vector<16xf32>
      %add3A_311 = arith.constant 64 : i32
      %add3A_312 = arith.addi %add3A_311, %scan3A_286 : i32
      %swap3A_313 = arith.index_cast %add3A_312 : i32 to index
      %swap3A_314 = arith.constant 32 : index
      %swap3A_315 = tpu.vector_load %arg7[%swap3A_313, %swap3A_314] {strides = array<i32>} : memref<256x128xf32, #tpu.memory_space<vmem>>, vector<1x16xf32>,
      %swap3A_316 = vector.shape_cast %swap3A_315 : vector<1x16xf32> to vector<16xf32>
      %swap3A_317 = vector.shape_cast %get3A_310 : vector<16xf32> to vector<1x16xf32>
      tpu.vector_store %arg7[%swap3A_313, %swap3A_314], %swap3A_317 {strides = array<i32>} : memref<256x128xf32, #tpu.memory_space<vmem>>, vector<1x16xf32>,
      %get3A_318 = arith.index_cast %scan3A_286 : i32 to index
      %get3A_319 = arith.constant 48 : index
      %get3A_320 = tpu.vector_load %arg8[%get3A_318, %get3A_319] {strides = array<i32>} : memref<64x128xf32, #tpu.memory_space<vmem>>, vector<1x16xf32>,
      %get3A_321 = vector.shape_cast %get3A_320 : vector<1x16xf32> to vector<16xf32>
      %add3A_322 = arith.constant 64 : i32
      %add3A_323 = arith.addi %add3A_322, %scan3A_286 : i32
      %swap3A_324 = arith.index_cast %add3A_323 : i32 to index
      %swap3A_325 = arith.constant 48 : index
      %swap3A_326 = tpu.vector_load %arg7[%swap3A_324, %swap3A_325] {strides = array<i32>} : memref<256x128xf32, #tpu.memory_space<vmem>>, vector<1x16xf32>,
      %swap3A_327 = vector.shape_cast %swap3A_326 : vector<1x16xf32> to vector<16xf32>
      %swap3A_328 = vector.shape_cast %get3A_321 : vector<16xf32> to vector<1x16xf32>
      tpu.vector_store %arg7[%swap3A_324, %swap3A_325], %swap3A_328 {strides = array<i32>} : memref<256x128xf32, #tpu.memory_space<vmem>>, vector<1x16xf32>,
      %get3A_329 = arith.index_cast %scan3A_286 : i32 to index
      %get3A_330 = arith.constant 64 : index
      %get3A_331 = tpu.vector_load %arg8[%get3A_329, %get3A_330] {strides = array<i32>} : memref<64x128xf32, #tpu.memory_space<vmem>>, vector<1x16xf32>,
      %get3A_332 = vector.shape_cast %get3A_331 : vector<1x16xf32> to vector<16xf32>
      %add3A_333 = arith.constant 64 : i32
      %add3A_334 = arith.addi %add3A_333, %scan3A_286 : i32
      %swap3A_335 = arith.index_cast %add3A_334 : i32 to index
      %swap3A_336 = arith.constant 64 : index
      %swap3A_337 = tpu.vector_load %arg7[%swap3A_335, %swap3A_336] {strides = array<i32>} : memref<256x128xf32, #tpu.memory_space<vmem>>, vector<1x16xf32>,
      %swap3A_338 = vector.shape_cast %swap3A_337 : vector<1x16xf32> to vector<16xf32>
      %swap3A_339 = vector.shape_cast %get3A_332 : vector<16xf32> to vector<1x16xf32>
      tpu.vector_store %arg7[%swap3A_335, %swap3A_336], %swap3A_339 {strides = array<i32>} : memref<256x128xf32, #tpu.memory_space<vmem>>, vector<1x16xf32>,
      %get3A_340 = arith.index_cast %scan3A_286 : i32 to index
      %get3A_341 = arith.constant 80 : index
      %get3A_342 = tpu.vector_load %arg8[%get3A_340, %get3A_341] {strides = array<i32>} : memref<64x128xf32, #tpu.memory_space<vmem>>, vector<1x16xf32>,
      %get3A_343 = vector.shape_cast %get3A_342 : vector<1x16xf32> to vector<16xf32>
      %add3A_344 = arith.constant 64 : i32
      %add3A_345 = arith.addi %add3A_344, %scan3A_286 : i32
      %swap3A_346 = arith.index_cast %add3A_345 : i32 to index
      %swap3A_347 = arith.constant 80 : index
      %swap3A_348 = tpu.vector_load %arg7[%swap3A_346, %swap3A_347] {strides = array<i32>} : memref<256x128xf32, #tpu.memory_space<vmem>>, vector<1x16xf32>,
      %swap3A_349 = vector.shape_cast %swap3A_348 : vector<1x16xf32> to vector<16xf32>
      %swap3A_350 = vector.shape_cast %get3A_343 : vector<16xf32> to vector<1x16xf32>
      tpu.vector_store %arg7[%swap3A_346, %swap3A_347], %swap3A_350 {strides = array<i32>} : memref<256x128xf32, #tpu.memory_space<vmem>>, vector<1x16xf32>,
      %get3A_351 = arith.index_cast %scan3A_286 : i32 to index
      %get3A_352 = arith.constant 96 : index
      %get3A_353 = tpu.vector_load %arg8[%get3A_351, %get3A_352] {strides = array<i32>} : memref<64x128xf32, #tpu.memory_space<vmem>>, vector<1x16xf32>,
      %get3A_354 = vector.shape_cast %get3A_353 : vector<1x16xf32> to vector<16xf32>
      %add3A_355 = arith.constant 64 : i32
      %add3A_356 = arith.addi %add3A_355, %scan3A_286 : i32
      %swap3A_357 = arith.index_cast %add3A_356 : i32 to index
      %swap3A_358 = arith.constant 96 : index
      %swap3A_359 = tpu.vector_load %arg7[%swap3A_357, %swap3A_358] {strides = array<i32>} : memref<256x128xf32, #tpu.memory_space<vmem>>, vector<1x16xf32>,
      %swap3A_360 = vector.shape_cast %swap3A_359 : vector<1x16xf32> to vector<16xf32>
      %swap3A_361 = vector.shape_cast %get3A_354 : vector<16xf32> to vector<1x16xf32>
      tpu.vector_store %arg7[%swap3A_357, %swap3A_358], %swap3A_361 {strides = array<i32>} : memref<256x128xf32, #tpu.memory_space<vmem>>, vector<1x16xf32>,
      %get3A_362 = arith.index_cast %scan3A_286 : i32 to index
      %get3A_363 = arith.constant 112 : index
      %get3A_364 = tpu.vector_load %arg8[%get3A_362, %get3A_363] {strides = array<i32>} : memref<64x128xf32, #tpu.memory_space<vmem>>, vector<1x16xf32>,
      %get3A_365 = vector.shape_cast %get3A_364 : vector<1x16xf32> to vector<16xf32>
      %add3A_366 = arith.constant 64 : i32
      %add3A_367 = arith.addi %add3A_366, %scan3A_286 : i32
      %swap3A_368 = arith.index_cast %add3A_367 : i32 to index
      %swap3A_369 = arith.constant 112 : index
      %swap3A_370 = tpu.vector_load %arg7[%swap3A_368, %swap3A_369] {strides = array<i32>} : memref<256x128xf32, #tpu.memory_space<vmem>>, vector<1x16xf32>,
      %swap3A_371 = vector.shape_cast %swap3A_370 : vector<1x16xf32> to vector<16xf32>
      %swap3A_372 = vector.shape_cast %get3A_365 : vector<16xf32> to vector<1x16xf32>
      tpu.vector_store %arg7[%swap3A_368, %swap3A_369], %swap3A_372 {strides = array<i32>} : memref<256x128xf32, #tpu.memory_space<vmem>>, vector<1x16xf32>,
    }
    %scan3A_113 = arith.constant 64 : i32
    %dma_start3A_114 = arith.constant 64 : i32
    %dma_start3A_115 = arith.constant 0 : i32
    %dma_start3A_116 = tpu.memref_slice %arg7[%dma_start3A_114, %dma_start3A_115] : memref<256x128xf32, #tpu.memory_space<vmem>> -> memref<64x128xf32, #tpu.memory_space<vmem>>
    %dma_start3A_117 = arith.constant 64 : i32
    %dma_start3A_118 = tpu.memref_slice %arg6[%dma_start3A_117] : memref<256xi32, #tpu.memory_space<vmem>> -> memref<64xi32, #tpu.memory_space<vmem>>
    %dma_start3A_119 = arith.constant 0 : i32
    %dma_start3A_120 = arith.constant 0 : i32
    %dma_start3A_121 = tpu.memref_slice %arg3[%dma_start3A_119, %dma_start3A_120] : memref<100000x128xf32, #tpu.memory_space<hbm>> -> memref<100000x128xf32, #tpu.memory_space<hbm>>
    tpu.enqueue_indirect_dma source(%dma_start3A_121 : memref<100000x128xf32, #tpu.memory_space<hbm>>) target(%dma_start3A_116 : memref<64x128xf32, #tpu.memory_space<vmem>>) offsets(%dma_start3A_118 : memref<64xi32, #tpu.memory_space<vmem>>) semaphore(%arg10 : memref<!tpu.dma_semaphore, #tpu.memory_space<semaphore_mem>>) {add = true}
    %scan3A_122 = arith.constant 0 : i32
    %scan3A_123 = arith.constant 0 : i32
    %scan3A_124 = arith.constant 64 : i32
    %scan3A_125 = arith.addi %scan3A_123, %scan3A_124 : i32
    %scan3A_126 = arith.constant 1 : i32
    scf.for %scan3A_286 = %scan3A_123 to %scan3A_125 step %scan3A_126  : i32 {
      %get3A = arith.index_cast %scan3A_286 : i32 to index
      %get3A_287 = arith.constant 0 : index
      %get3A_288 = tpu.vector_load %arg8[%get3A, %get3A_287] {strides = array<i32>} : memref<64x128xf32, #tpu.memory_space<vmem>>, vector<1x16xf32>,
      %get3A_289 = vector.shape_cast %get3A_288 : vector<1x16xf32> to vector<16xf32>
      %add3A_290 = arith.constant 128 : i32
      %add3A_291 = arith.addi %add3A_290, %scan3A_286 : i32
      %swap3A = arith.index_cast %add3A_291 : i32 to index
      %swap3A_292 = arith.constant 0 : index
      %swap3A_293 = tpu.vector_load %arg7[%swap3A, %swap3A_292] {strides = array<i32>} : memref<256x128xf32, #tpu.memory_space<vmem>>, vector<1x16xf32>,
      %swap3A_294 = vector.shape_cast %swap3A_293 : vector<1x16xf32> to vector<16xf32>
      %swap3A_295 = vector.shape_cast %get3A_289 : vector<16xf32> to vector<1x16xf32>
      tpu.vector_store %arg7[%swap3A, %swap3A_292], %swap3A_295 {strides = array<i32>} : memref<256x128xf32, #tpu.memory_space<vmem>>, vector<1x16xf32>,
      %get3A_296 = arith.index_cast %scan3A_286 : i32 to index
      %get3A_297 = arith.constant 16 : index
      %get3A_298 = tpu.vector_load %arg8[%get3A_296, %get3A_297] {strides = array<i32>} : memref<64x128xf32, #tpu.memory_space<vmem>>, vector<1x16xf32>,
      %get3A_299 = vector.shape_cast %get3A_298 : vector<1x16xf32> to vector<16xf32>
      %add3A_300 = arith.constant 128 : i32
      %add3A_301 = arith.addi %add3A_300, %scan3A_286 : i32
      %swap3A_302 = arith.index_cast %add3A_301 : i32 to index
      %swap3A_303 = arith.constant 16 : index
      %swap3A_304 = tpu.vector_load %arg7[%swap3A_302, %swap3A_303] {strides = array<i32>} : memref<256x128xf32, #tpu.memory_space<vmem>>, vector<1x16xf32>,
      %swap3A_305 = vector.shape_cast %swap3A_304 : vector<1x16xf32> to vector<16xf32>
      %swap3A_306 = vector.shape_cast %get3A_299 : vector<16xf32> to vector<1x16xf32>
      tpu.vector_store %arg7[%swap3A_302, %swap3A_303], %swap3A_306 {strides = array<i32>} : memref<256x128xf32, #tpu.memory_space<vmem>>, vector<1x16xf32>,
      %get3A_307 = arith.index_cast %scan3A_286 : i32 to index
      %get3A_308 = arith.constant 32 : index
      %get3A_309 = tpu.vector_load %arg8[%get3A_307, %get3A_308] {strides = array<i32>} : memref<64x128xf32, #tpu.memory_space<vmem>>, vector<1x16xf32>,
      %get3A_310 = vector.shape_cast %get3A_309 : vector<1x16xf32> to vector<16xf32>
      %add3A_311 = arith.constant 128 : i32
      %add3A_312 = arith.addi %add3A_311, %scan3A_286 : i32
      %swap3A_313 = arith.index_cast %add3A_312 : i32 to index
      %swap3A_314 = arith.constant 32 : index
      %swap3A_315 = tpu.vector_load %arg7[%swap3A_313, %swap3A_314] {strides = array<i32>} : memref<256x128xf32, #tpu.memory_space<vmem>>, vector<1x16xf32>,
      %swap3A_316 = vector.shape_cast %swap3A_315 : vector<1x16xf32> to vector<16xf32>
      %swap3A_317 = vector.shape_cast %get3A_310 : vector<16xf32> to vector<1x16xf32>
      tpu.vector_store %arg7[%swap3A_313, %swap3A_314], %swap3A_317 {strides = array<i32>} : memref<256x128xf32, #tpu.memory_space<vmem>>, vector<1x16xf32>,
      %get3A_318 = arith.index_cast %scan3A_286 : i32 to index
      %get3A_319 = arith.constant 48 : index
      %get3A_320 = tpu.vector_load %arg8[%get3A_318, %get3A_319] {strides = array<i32>} : memref<64x128xf32, #tpu.memory_space<vmem>>, vector<1x16xf32>,
      %get3A_321 = vector.shape_cast %get3A_320 : vector<1x16xf32> to vector<16xf32>
      %add3A_322 = arith.constant 128 : i32
      %add3A_323 = arith.addi %add3A_322, %scan3A_286 : i32
      %swap3A_324 = arith.index_cast %add3A_323 : i32 to index
      %swap3A_325 = arith.constant 48 : index
      %swap3A_326 = tpu.vector_load %arg7[%swap3A_324, %swap3A_325] {strides = array<i32>} : memref<256x128xf32, #tpu.memory_space<vmem>>, vector<1x16xf32>,
      %swap3A_327 = vector.shape_cast %swap3A_326 : vector<1x16xf32> to vector<16xf32>
      %swap3A_328 = vector.shape_cast %get3A_321 : vector<16xf32> to vector<1x16xf32>
      tpu.vector_store %arg7[%swap3A_324, %swap3A_325], %swap3A_328 {strides = array<i32>} : memref<256x128xf32, #tpu.memory_space<vmem>>, vector<1x16xf32>,
      %get3A_329 = arith.index_cast %scan3A_286 : i32 to index
      %get3A_330 = arith.constant 64 : index
      %get3A_331 = tpu.vector_load %arg8[%get3A_329, %get3A_330] {strides = array<i32>} : memref<64x128xf32, #tpu.memory_space<vmem>>, vector<1x16xf32>,
      %get3A_332 = vector.shape_cast %get3A_331 : vector<1x16xf32> to vector<16xf32>
      %add3A_333 = arith.constant 128 : i32
      %add3A_334 = arith.addi %add3A_333, %scan3A_286 : i32
      %swap3A_335 = arith.index_cast %add3A_334 : i32 to index
      %swap3A_336 = arith.constant 64 : index
      %swap3A_337 = tpu.vector_load %arg7[%swap3A_335, %swap3A_336] {strides = array<i32>} : memref<256x128xf32, #tpu.memory_space<vmem>>, vector<1x16xf32>,
      %swap3A_338 = vector.shape_cast %swap3A_337 : vector<1x16xf32> to vector<16xf32>
      %swap3A_339 = vector.shape_cast %get3A_332 : vector<16xf32> to vector<1x16xf32>
      tpu.vector_store %arg7[%swap3A_335, %swap3A_336], %swap3A_339 {strides = array<i32>} : memref<256x128xf32, #tpu.memory_space<vmem>>, vector<1x16xf32>,
      %get3A_340 = arith.index_cast %scan3A_286 : i32 to index
      %get3A_341 = arith.constant 80 : index
      %get3A_342 = tpu.vector_load %arg8[%get3A_340, %get3A_341] {strides = array<i32>} : memref<64x128xf32, #tpu.memory_space<vmem>>, vector<1x16xf32>,
      %get3A_343 = vector.shape_cast %get3A_342 : vector<1x16xf32> to vector<16xf32>
      %add3A_344 = arith.constant 128 : i32
      %add3A_345 = arith.addi %add3A_344, %scan3A_286 : i32
      %swap3A_346 = arith.index_cast %add3A_345 : i32 to index
      %swap3A_347 = arith.constant 80 : index
      %swap3A_348 = tpu.vector_load %arg7[%swap3A_346, %swap3A_347] {strides = array<i32>} : memref<256x128xf32, #tpu.memory_space<vmem>>, vector<1x16xf32>,
      %swap3A_349 = vector.shape_cast %swap3A_348 : vector<1x16xf32> to vector<16xf32>
      %swap3A_350 = vector.shape_cast %get3A_343 : vector<16xf32> to vector<1x16xf32>
      tpu.vector_store %arg7[%swap3A_346, %swap3A_347], %swap3A_350 {strides = array<i32>} : memref<256x128xf32, #tpu.memory_space<vmem>>, vector<1x16xf32>,
      %get3A_351 = arith.index_cast %scan3A_286 : i32 to index
      %get3A_352 = arith.constant 96 : index
      %get3A_353 = tpu.vector_load %arg8[%get3A_351, %get3A_352] {strides = array<i32>} : memref<64x128xf32, #tpu.memory_space<vmem>>, vector<1x16xf32>,
      %get3A_354 = vector.shape_cast %get3A_353 : vector<1x16xf32> to vector<16xf32>
      %add3A_355 = arith.constant 128 : i32
      %add3A_356 = arith.addi %add3A_355, %scan3A_286 : i32
      %swap3A_357 = arith.index_cast %add3A_356 : i32 to index
      %swap3A_358 = arith.constant 96 : index
      %swap3A_359 = tpu.vector_load %arg7[%swap3A_357, %swap3A_358] {strides = array<i32>} : memref<256x128xf32, #tpu.memory_space<vmem>>, vector<1x16xf32>,
      %swap3A_360 = vector.shape_cast %swap3A_359 : vector<1x16xf32> to vector<16xf32>
      %swap3A_361 = vector.shape_cast %get3A_354 : vector<16xf32> to vector<1x16xf32>
      tpu.vector_store %arg7[%swap3A_357, %swap3A_358], %swap3A_361 {strides = array<i32>} : memref<256x128xf32, #tpu.memory_space<vmem>>, vector<1x16xf32>,
      %get3A_362 = arith.index_cast %scan3A_286 : i32 to index
      %get3A_363 = arith.constant 112 : index
      %get3A_364 = tpu.vector_load %arg8[%get3A_362, %get3A_363] {strides = array<i32>} : memref<64x128xf32, #tpu.memory_space<vmem>>, vector<1x16xf32>,
      %get3A_365 = vector.shape_cast %get3A_364 : vector<1x16xf32> to vector<16xf32>
      %add3A_366 = arith.constant 128 : i32
      %add3A_367 = arith.addi %add3A_366, %scan3A_286 : i32
      %swap3A_368 = arith.index_cast %add3A_367 : i32 to index
      %swap3A_369 = arith.constant 112 : index
      %swap3A_370 = tpu.vector_load %arg7[%swap3A_368, %swap3A_369] {strides = array<i32>} : memref<256x128xf32, #tpu.memory_space<vmem>>, vector<1x16xf32>,
      %swap3A_371 = vector.shape_cast %swap3A_370 : vector<1x16xf32> to vector<16xf32>
      %swap3A_372 = vector.shape_cast %get3A_365 : vector<16xf32> to vector<1x16xf32>
      tpu.vector_store %arg7[%swap3A_368, %swap3A_369], %swap3A_372 {strides = array<i32>} : memref<256x128xf32, #tpu.memory_space<vmem>>, vector<1x16xf32>,
    }
    %scan3A_127 = arith.constant 64 : i32
    %dma_start3A_128 = arith.constant 128 : i32
    %dma_start3A_129 = arith.constant 0 : i32
    %dma_start3A_130 = tpu.memref_slice %arg7[%dma_start3A_128, %dma_start3A_129] : memref<256x128xf32, #tpu.memory_space<vmem>> -> memref<64x128xf32, #tpu.memory_space<vmem>>
    %dma_start3A_131 = arith.constant 128 : i32
    %dma_start3A_132 = tpu.memref_slice %arg6[%dma_start3A_131] : memref<256xi32, #tpu.memory_space<vmem>> -> memref<64xi32, #tpu.memory_space<vmem>>
    %dma_start3A_133 = arith.constant 0 : i32
    %dma_start3A_134 = arith.constant 0 : i32
    %dma_start3A_135 = tpu.memref_slice %arg3[%dma_start3A_133, %dma_start3A_134] : memref<100000x128xf32, #tpu.memory_space<hbm>> -> memref<100000x128xf32, #tpu.memory_space<hbm>>
    tpu.enqueue_indirect_dma source(%dma_start3A_135 : memref<100000x128xf32, #tpu.memory_space<hbm>>) target(%dma_start3A_130 : memref<64x128xf32, #tpu.memory_space<vmem>>) offsets(%dma_start3A_132 : memref<64xi32, #tpu.memory_space<vmem>>) semaphore(%arg11 : memref<!tpu.dma_semaphore, #tpu.memory_space<semaphore_mem>>) {add = true}
    %scan3A_136 = arith.constant 0 : i32
    %scan3A_137 = arith.constant 0 : i32
    %scan3A_138 = arith.constant 64 : i32
    %scan3A_139 = arith.addi %scan3A_137, %scan3A_138 : i32
    %scan3A_140 = arith.constant 1 : i32
    scf.for %scan3A_286 = %scan3A_137 to %scan3A_139 step %scan3A_140  : i32 {
      %get3A = arith.index_cast %scan3A_286 : i32 to index
      %get3A_287 = arith.constant 0 : index
      %get3A_288 = tpu.vector_load %arg8[%get3A, %get3A_287] {strides = array<i32>} : memref<64x128xf32, #tpu.memory_space<vmem>>, vector<1x16xf32>,
      %get3A_289 = vector.shape_cast %get3A_288 : vector<1x16xf32> to vector<16xf32>
      %add3A_290 = arith.constant 192 : i32
      %add3A_291 = arith.addi %add3A_290, %scan3A_286 : i32
      %swap3A = arith.index_cast %add3A_291 : i32 to index
      %swap3A_292 = arith.constant 0 : index
      %swap3A_293 = tpu.vector_load %arg7[%swap3A, %swap3A_292] {strides = array<i32>} : memref<256x128xf32, #tpu.memory_space<vmem>>, vector<1x16xf32>,
      %swap3A_294 = vector.shape_cast %swap3A_293 : vector<1x16xf32> to vector<16xf32>
      %swap3A_295 = vector.shape_cast %get3A_289 : vector<16xf32> to vector<1x16xf32>
      tpu.vector_store %arg7[%swap3A, %swap3A_292], %swap3A_295 {strides = array<i32>} : memref<256x128xf32, #tpu.memory_space<vmem>>, vector<1x16xf32>,
      %get3A_296 = arith.index_cast %scan3A_286 : i32 to index
      %get3A_297 = arith.constant 16 : index
      %get3A_298 = tpu.vector_load %arg8[%get3A_296, %get3A_297] {strides = array<i32>} : memref<64x128xf32, #tpu.memory_space<vmem>>, vector<1x16xf32>,
      %get3A_299 = vector.shape_cast %get3A_298 : vector<1x16xf32> to vector<16xf32>
      %add3A_300 = arith.constant 192 : i32
      %add3A_301 = arith.addi %add3A_300, %scan3A_286 : i32
      %swap3A_302 = arith.index_cast %add3A_301 : i32 to index
      %swap3A_303 = arith.constant 16 : index
      %swap3A_304 = tpu.vector_load %arg7[%swap3A_302, %swap3A_303] {strides = array<i32>} : memref<256x128xf32, #tpu.memory_space<vmem>>, vector<1x16xf32>,
      %swap3A_305 = vector.shape_cast %swap3A_304 : vector<1x16xf32> to vector<16xf32>
      %swap3A_306 = vector.shape_cast %get3A_299 : vector<16xf32> to vector<1x16xf32>
      tpu.vector_store %arg7[%swap3A_302, %swap3A_303], %swap3A_306 {strides = array<i32>} : memref<256x128xf32, #tpu.memory_space<vmem>>, vector<1x16xf32>,
      %get3A_307 = arith.index_cast %scan3A_286 : i32 to index
      %get3A_308 = arith.constant 32 : index
      %get3A_309 = tpu.vector_load %arg8[%get3A_307, %get3A_308] {strides = array<i32>} : memref<64x128xf32, #tpu.memory_space<vmem>>, vector<1x16xf32>,
      %get3A_310 = vector.shape_cast %get3A_309 : vector<1x16xf32> to vector<16xf32>
      %add3A_311 = arith.constant 192 : i32
      %add3A_312 = arith.addi %add3A_311, %scan3A_286 : i32
      %swap3A_313 = arith.index_cast %add3A_312 : i32 to index
      %swap3A_314 = arith.constant 32 : index
      %swap3A_315 = tpu.vector_load %arg7[%swap3A_313, %swap3A_314] {strides = array<i32>} : memref<256x128xf32, #tpu.memory_space<vmem>>, vector<1x16xf32>,
      %swap3A_316 = vector.shape_cast %swap3A_315 : vector<1x16xf32> to vector<16xf32>
      %swap3A_317 = vector.shape_cast %get3A_310 : vector<16xf32> to vector<1x16xf32>
      tpu.vector_store %arg7[%swap3A_313, %swap3A_314], %swap3A_317 {strides = array<i32>} : memref<256x128xf32, #tpu.memory_space<vmem>>, vector<1x16xf32>,
      %get3A_318 = arith.index_cast %scan3A_286 : i32 to index
      %get3A_319 = arith.constant 48 : index
      %get3A_320 = tpu.vector_load %arg8[%get3A_318, %get3A_319] {strides = array<i32>} : memref<64x128xf32, #tpu.memory_space<vmem>>, vector<1x16xf32>,
      %get3A_321 = vector.shape_cast %get3A_320 : vector<1x16xf32> to vector<16xf32>
      %add3A_322 = arith.constant 192 : i32
      %add3A_323 = arith.addi %add3A_322, %scan3A_286 : i32
      %swap3A_324 = arith.index_cast %add3A_323 : i32 to index
      %swap3A_325 = arith.constant 48 : index
      %swap3A_326 = tpu.vector_load %arg7[%swap3A_324, %swap3A_325] {strides = array<i32>} : memref<256x128xf32, #tpu.memory_space<vmem>>, vector<1x16xf32>,
      %swap3A_327 = vector.shape_cast %swap3A_326 : vector<1x16xf32> to vector<16xf32>
      %swap3A_328 = vector.shape_cast %get3A_321 : vector<16xf32> to vector<1x16xf32>
      tpu.vector_store %arg7[%swap3A_324, %swap3A_325], %swap3A_328 {strides = array<i32>} : memref<256x128xf32, #tpu.memory_space<vmem>>, vector<1x16xf32>,
      %get3A_329 = arith.index_cast %scan3A_286 : i32 to index
      %get3A_330 = arith.constant 64 : index
      %get3A_331 = tpu.vector_load %arg8[%get3A_329, %get3A_330] {strides = array<i32>} : memref<64x128xf32, #tpu.memory_space<vmem>>, vector<1x16xf32>,
      %get3A_332 = vector.shape_cast %get3A_331 : vector<1x16xf32> to vector<16xf32>
      %add3A_333 = arith.constant 192 : i32
      %add3A_334 = arith.addi %add3A_333, %scan3A_286 : i32
      %swap3A_335 = arith.index_cast %add3A_334 : i32 to index
      %swap3A_336 = arith.constant 64 : index
      %swap3A_337 = tpu.vector_load %arg7[%swap3A_335, %swap3A_336] {strides = array<i32>} : memref<256x128xf32, #tpu.memory_space<vmem>>, vector<1x16xf32>,
      %swap3A_338 = vector.shape_cast %swap3A_337 : vector<1x16xf32> to vector<16xf32>
      %swap3A_339 = vector.shape_cast %get3A_332 : vector<16xf32> to vector<1x16xf32>
      tpu.vector_store %arg7[%swap3A_335, %swap3A_336], %swap3A_339 {strides = array<i32>} : memref<256x128xf32, #tpu.memory_space<vmem>>, vector<1x16xf32>,
      %get3A_340 = arith.index_cast %scan3A_286 : i32 to index
      %get3A_341 = arith.constant 80 : index
      %get3A_342 = tpu.vector_load %arg8[%get3A_340, %get3A_341] {strides = array<i32>} : memref<64x128xf32, #tpu.memory_space<vmem>>, vector<1x16xf32>,
      %get3A_343 = vector.shape_cast %get3A_342 : vector<1x16xf32> to vector<16xf32>
      %add3A_344 = arith.constant 192 : i32
      %add3A_345 = arith.addi %add3A_344, %scan3A_286 : i32
      %swap3A_346 = arith.index_cast %add3A_345 : i32 to index
      %swap3A_347 = arith.constant 80 : index
      %swap3A_348 = tpu.vector_load %arg7[%swap3A_346, %swap3A_347] {strides = array<i32>} : memref<256x128xf32, #tpu.memory_space<vmem>>, vector<1x16xf32>,
      %swap3A_349 = vector.shape_cast %swap3A_348 : vector<1x16xf32> to vector<16xf32>
      %swap3A_350 = vector.shape_cast %get3A_343 : vector<16xf32> to vector<1x16xf32>
      tpu.vector_store %arg7[%swap3A_346, %swap3A_347], %swap3A_350 {strides = array<i32>} : memref<256x128xf32, #tpu.memory_space<vmem>>, vector<1x16xf32>,
      %get3A_351 = arith.index_cast %scan3A_286 : i32 to index
      %get3A_352 = arith.constant 96 : index
      %get3A_353 = tpu.vector_load %arg8[%get3A_351, %get3A_352] {strides = array<i32>} : memref<64x128xf32, #tpu.memory_space<vmem>>, vector<1x16xf32>,
      %get3A_354 = vector.shape_cast %get3A_353 : vector<1x16xf32> to vector<16xf32>
      %add3A_355 = arith.constant 192 : i32
      %add3A_356 = arith.addi %add3A_355, %scan3A_286 : i32
      %swap3A_357 = arith.index_cast %add3A_356 : i32 to index
      %swap3A_358 = arith.constant 96 : index
      %swap3A_359 = tpu.vector_load %arg7[%swap3A_357, %swap3A_358] {strides = array<i32>} : memref<256x128xf32, #tpu.memory_space<vmem>>, vector<1x16xf32>,
      %swap3A_360 = vector.shape_cast %swap3A_359 : vector<1x16xf32> to vector<16xf32>
      %swap3A_361 = vector.shape_cast %get3A_354 : vector<16xf32> to vector<1x16xf32>
      tpu.vector_store %arg7[%swap3A_357, %swap3A_358], %swap3A_361 {strides = array<i32>} : memref<256x128xf32, #tpu.memory_space<vmem>>, vector<1x16xf32>,
      %get3A_362 = arith.index_cast %scan3A_286 : i32 to index
      %get3A_363 = arith.constant 112 : index
      %get3A_364 = tpu.vector_load %arg8[%get3A_362, %get3A_363] {strides = array<i32>} : memref<64x128xf32, #tpu.memory_space<vmem>>, vector<1x16xf32>,
      %get3A_365 = vector.shape_cast %get3A_364 : vector<1x16xf32> to vector<16xf32>
      %add3A_366 = arith.constant 192 : i32
      %add3A_367 = arith.addi %add3A_366, %scan3A_286 : i32
      %swap3A_368 = arith.index_cast %add3A_367 : i32 to index
      %swap3A_369 = arith.constant 112 : index
      %swap3A_370 = tpu.vector_load %arg7[%swap3A_368, %swap3A_369] {strides = array<i32>} : memref<256x128xf32, #tpu.memory_space<vmem>>, vector<1x16xf32>,
      %swap3A_371 = vector.shape_cast %swap3A_370 : vector<1x16xf32> to vector<16xf32>
      %swap3A_372 = vector.shape_cast %get3A_365 : vector<16xf32> to vector<1x16xf32>
      tpu.vector_store %arg7[%swap3A_368, %swap3A_369], %swap3A_372 {strides = array<i32>} : memref<256x128xf32, #tpu.memory_space<vmem>>, vector<1x16xf32>,
    }
    %scan3A_141 = arith.constant 64 : i32
    %dma_start3A_142 = arith.constant 192 : i32
    %dma_start3A_143 = arith.constant 0 : i32
    %dma_start3A_144 = tpu.memref_slice %arg7[%dma_start3A_142, %dma_start3A_143] : memref<256x128xf32, #tpu.memory_space<vmem>> -> memref<64x128xf32, #tpu.memory_space<vmem>>
    %dma_start3A_145 = arith.constant 192 : i32
    %dma_start3A_146 = tpu.memref_slice %arg6[%dma_start3A_145] : memref<256xi32, #tpu.memory_space<vmem>> -> memref<64xi32, #tpu.memory_space<vmem>>
    %dma_start3A_147 = arith.constant 0 : i32
    %dma_start3A_148 = arith.constant 0 : i32
    %dma_start3A_149 = tpu.memref_slice %arg3[%dma_start3A_147, %dma_start3A_148] : memref<100000x128xf32, #tpu.memory_space<hbm>> -> memref<100000x128xf32, #tpu.memory_space<hbm>>
    tpu.enqueue_indirect_dma source(%dma_start3A_149 : memref<100000x128xf32, #tpu.memory_space<hbm>>) target(%dma_start3A_144 : memref<64x128xf32, #tpu.memory_space<vmem>>) offsets(%dma_start3A_146 : memref<64xi32, #tpu.memory_space<vmem>>) semaphore(%arg12 : memref<!tpu.dma_semaphore, #tpu.memory_space<semaphore_mem>>) {add = true}
    %dma_wait3A_150 = arith.constant 0 : i32
    %dma_wait3A_151 = arith.constant 0 : i32
    %dma_wait3A_152 = tpu.memref_slice %arg7[%dma_wait3A_150, %dma_wait3A_151] : memref<256x128xf32, #tpu.memory_space<vmem>> -> memref<64x128xf32, #tpu.memory_space<vmem>>
    %dma_wait3A_153 = arith.constant 0 : i32
    %dma_wait3A_154 = tpu.memref_slice %arg6[%dma_wait3A_153] : memref<256xi32, #tpu.memory_space<vmem>> -> memref<64xi32, #tpu.memory_space<vmem>>
    %dma_wait3A_155 = arith.constant 0 : i32
    %dma_wait3A_156 = arith.constant 0 : i32
    %dma_wait3A_157 = tpu.memref_slice %arg3[%dma_wait3A_155, %dma_wait3A_156] : memref<100000x128xf32, #tpu.memory_space<hbm>> -> memref<100000x128xf32, #tpu.memory_space<hbm>>
    tpu.wait_indirect_dma semaphore(%arg9 : memref<!tpu.dma_semaphore, #tpu.memory_space<semaphore_mem>>) src(%dma_wait3A_157 : memref<100000x128xf32, #tpu.memory_space<hbm>>) dst(%dma_wait3A_152 : memref<64x128xf32, #tpu.memory_space<vmem>>)
    %dma_start3A_158 = arith.constant 0 : i32
    %dma_start3A_159 = arith.constant 0 : i32
    %dma_start3A_160 = arith.constant 0 : i32
    %dma_start3A_161 = tpu.memref_slice %arg7[%dma_start3A_159, %dma_start3A_160] : memref<256x128xf32, #tpu.memory_space<vmem>> -> memref<64x128xf32, #tpu.memory_space<vmem>>
    %dma_start3A_162 = arith.constant 0 : i32
    %dma_start3A_163 = tpu.memref_slice %arg5[%dma_start3A_158, %mul3A_2, %dma_start3A_162] : memref<4x2048x128xf32, #tpu.memory_space<hbm>> -> memref<1x64x128xf32, #tpu.memory_space<hbm>>
    %dma_start3A_164 = tpu.memref_squeeze %dma_start3A_163 : memref<1x64x128xf32, #tpu.memory_space<hbm>> -> memref<64x128xf32, #tpu.memory_space<hbm>>
    %dma_start3A_165 = arith.constant 0 : i32
    %dma_start3A_166 = tpu.memref_slice %arg5[%dma_start3A_158, %mul3A_2, %dma_start3A_165] : memref<4x2048x128xf32, #tpu.memory_space<hbm>> -> memref<1x64x128xf32, #tpu.memory_space<hbm>>
    %dma_start3A_167 = tpu.memref_squeeze %dma_start3A_166 : memref<1x64x128xf32, #tpu.memory_space<hbm>> -> memref<64x128xf32, #tpu.memory_space<hbm>>
    %dma_start3A_168 = arith.constant 0 : i32
    %dma_start3A_169 = arith.constant 0 : i32
    %dma_start3A_170 = tpu.memref_slice %arg7[%dma_start3A_168, %dma_start3A_169] : memref<256x128xf32, #tpu.memory_space<vmem>> -> memref<64x128xf32, #tpu.memory_space<vmem>>
    tpu.enqueue_dma source(%dma_start3A_170 : memref<64x128xf32, #tpu.memory_space<vmem>>) target(%dma_start3A_167 : memref<64x128xf32, #tpu.memory_space<hbm>>) target_semaphore(%arg13 : memref<!tpu.dma_semaphore, #tpu.memory_space<semaphore_mem>>)
    %dma_wait3A_171 = arith.constant 64 : i32
    %dma_wait3A_172 = arith.constant 0 : i32
    %dma_wait3A_173 = tpu.memref_slice %arg7[%dma_wait3A_171, %dma_wait3A_172] : memref<256x128xf32, #tpu.memory_space<vmem>> -> memref<64x128xf32, #tpu.memory_space<vmem>>
    %dma_wait3A_174 = arith.constant 64 : i32
    %dma_wait3A_175 = tpu.memref_slice %arg6[%dma_wait3A_174] : memref<256xi32, #tpu.memory_space<vmem>> -> memref<64xi32, #tpu.memory_space<vmem>>
    %dma_wait3A_176 = arith.constant 0 : i32
    %dma_wait3A_177 = arith.constant 0 : i32
    %dma_wait3A_178 = tpu.memref_slice %arg3[%dma_wait3A_176, %dma_wait3A_177] : memref<100000x128xf32, #tpu.memory_space<hbm>> -> memref<100000x128xf32, #tpu.memory_space<hbm>>
    tpu.wait_indirect_dma semaphore(%arg10 : memref<!tpu.dma_semaphore, #tpu.memory_space<semaphore_mem>>) src(%dma_wait3A_178 : memref<100000x128xf32, #tpu.memory_space<hbm>>) dst(%dma_wait3A_173 : memref<64x128xf32, #tpu.memory_space<vmem>>)
    %dma_start3A_179 = arith.constant 1 : i32
    %dma_start3A_180 = arith.constant 64 : i32
    %dma_start3A_181 = arith.constant 0 : i32
    %dma_start3A_182 = tpu.memref_slice %arg7[%dma_start3A_180, %dma_start3A_181] : memref<256x128xf32, #tpu.memory_space<vmem>> -> memref<64x128xf32, #tpu.memory_space<vmem>>
    %dma_start3A_183 = arith.constant 0 : i32
    %dma_start3A_184 = tpu.memref_slice %arg5[%dma_start3A_179, %mul3A_2, %dma_start3A_183] : memref<4x2048x128xf32, #tpu.memory_space<hbm>> -> memref<1x64x128xf32, #tpu.memory_space<hbm>>
    %dma_start3A_185 = tpu.memref_squeeze %dma_start3A_184 : memref<1x64x128xf32, #tpu.memory_space<hbm>> -> memref<64x128xf32, #tpu.memory_space<hbm>>
    %dma_start3A_186 = arith.constant 0 : i32
    %dma_start3A_187 = tpu.memref_slice %arg5[%dma_start3A_179, %mul3A_2, %dma_start3A_186] : memref<4x2048x128xf32, #tpu.memory_space<hbm>> -> memref<1x64x128xf32, #tpu.memory_space<hbm>>
    %dma_start3A_188 = tpu.memref_squeeze %dma_start3A_187 : memref<1x64x128xf32, #tpu.memory_space<hbm>> -> memref<64x128xf32, #tpu.memory_space<hbm>>
    %dma_start3A_189 = arith.constant 64 : i32
    %dma_start3A_190 = arith.constant 0 : i32
    %dma_start3A_191 = tpu.memref_slice %arg7[%dma_start3A_189, %dma_start3A_190] : memref<256x128xf32, #tpu.memory_space<vmem>> -> memref<64x128xf32, #tpu.memory_space<vmem>>
    tpu.enqueue_dma source(%dma_start3A_191 : memref<64x128xf32, #tpu.memory_space<vmem>>) target(%dma_start3A_188 : memref<64x128xf32, #tpu.memory_space<hbm>>) target_semaphore(%arg13 : memref<!tpu.dma_semaphore, #tpu.memory_space<semaphore_mem>>)
    %dma_wait3A_192 = arith.constant 128 : i32
    %dma_wait3A_193 = arith.constant 0 : i32
    %dma_wait3A_194 = tpu.memref_slice %arg7[%dma_wait3A_192, %dma_wait3A_193] : memref<256x128xf32, #tpu.memory_space<vmem>> -> memref<64x128xf32, #tpu.memory_space<vmem>>
    %dma_wait3A_195 = arith.constant 128 : i32
    %dma_wait3A_196 = tpu.memref_slice %arg6[%dma_wait3A_195] : memref<256xi32, #tpu.memory_space<vmem>> -> memref<64xi32, #tpu.memory_space<vmem>>
    %dma_wait3A_197 = arith.constant 0 : i32
    %dma_wait3A_198 = arith.constant 0 : i32
    %dma_wait3A_199 = tpu.memref_slice %arg3[%dma_wait3A_197, %dma_wait3A_198] : memref<100000x128xf32, #tpu.memory_space<hbm>> -> memref<100000x128xf32, #tpu.memory_space<hbm>>
    tpu.wait_indirect_dma semaphore(%arg11 : memref<!tpu.dma_semaphore, #tpu.memory_space<semaphore_mem>>) src(%dma_wait3A_199 : memref<100000x128xf32, #tpu.memory_space<hbm>>) dst(%dma_wait3A_194 : memref<64x128xf32, #tpu.memory_space<vmem>>)
    %dma_start3A_200 = arith.constant 2 : i32
    %dma_start3A_201 = arith.constant 128 : i32
    %dma_start3A_202 = arith.constant 0 : i32
    %dma_start3A_203 = tpu.memref_slice %arg7[%dma_start3A_201, %dma_start3A_202] : memref<256x128xf32, #tpu.memory_space<vmem>> -> memref<64x128xf32, #tpu.memory_space<vmem>>
    %dma_start3A_204 = arith.constant 0 : i32
    %dma_start3A_205 = tpu.memref_slice %arg5[%dma_start3A_200, %mul3A_2, %dma_start3A_204] : memref<4x2048x128xf32, #tpu.memory_space<hbm>> -> memref<1x64x128xf32, #tpu.memory_space<hbm>>
    %dma_start3A_206 = tpu.memref_squeeze %dma_start3A_205 : memref<1x64x128xf32, #tpu.memory_space<hbm>> -> memref<64x128xf32, #tpu.memory_space<hbm>>
    %dma_start3A_207 = arith.constant 0 : i32
    %dma_start3A_208 = tpu.memref_slice %arg5[%dma_start3A_200, %mul3A_2, %dma_start3A_207] : memref<4x2048x128xf32, #tpu.memory_space<hbm>> -> memref<1x64x128xf32, #tpu.memory_space<hbm>>
    %dma_start3A_209 = tpu.memref_squeeze %dma_start3A_208 : memref<1x64x128xf32, #tpu.memory_space<hbm>> -> memref<64x128xf32, #tpu.memory_space<hbm>>
    %dma_start3A_210 = arith.constant 128 : i32
    %dma_start3A_211 = arith.constant 0 : i32
    %dma_start3A_212 = tpu.memref_slice %arg7[%dma_start3A_210, %dma_start3A_211] : memref<256x128xf32, #tpu.memory_space<vmem>> -> memref<64x128xf32, #tpu.memory_space<vmem>>
    tpu.enqueue_dma source(%dma_start3A_212 : memref<64x128xf32, #tpu.memory_space<vmem>>) target(%dma_start3A_209 : memref<64x128xf32, #tpu.memory_space<hbm>>) target_semaphore(%arg13 : memref<!tpu.dma_semaphore, #tpu.memory_space<semaphore_mem>>)
    %dma_wait3A_213 = arith.constant 192 : i32
    %dma_wait3A_214 = arith.constant 0 : i32
    %dma_wait3A_215 = tpu.memref_slice %arg7[%dma_wait3A_213, %dma_wait3A_214] : memref<256x128xf32, #tpu.memory_space<vmem>> -> memref<64x128xf32, #tpu.memory_space<vmem>>
    %dma_wait3A_216 = arith.constant 192 : i32
    %dma_wait3A_217 = tpu.memref_slice %arg6[%dma_wait3A_216] : memref<256xi32, #tpu.memory_space<vmem>> -> memref<64xi32, #tpu.memory_space<vmem>>
    %dma_wait3A_218 = arith.constant 0 : i32
    %dma_wait3A_219 = arith.constant 0 : i32
    %dma_wait3A_220 = tpu.memref_slice %arg3[%dma_wait3A_218, %dma_wait3A_219] : memref<100000x128xf32, #tpu.memory_space<hbm>> -> memref<100000x128xf32, #tpu.memory_space<hbm>>
    tpu.wait_indirect_dma semaphore(%arg12 : memref<!tpu.dma_semaphore, #tpu.memory_space<semaphore_mem>>) src(%dma_wait3A_220 : memref<100000x128xf32, #tpu.memory_space<hbm>>) dst(%dma_wait3A_215 : memref<64x128xf32, #tpu.memory_space<vmem>>)
    %dma_start3A_221 = arith.constant 3 : i32
    %dma_start3A_222 = arith.constant 192 : i32
    %dma_start3A_223 = arith.constant 0 : i32
    %dma_start3A_224 = tpu.memref_slice %arg7[%dma_start3A_222, %dma_start3A_223] : memref<256x128xf32, #tpu.memory_space<vmem>> -> memref<64x128xf32, #tpu.memory_space<vmem>>
    %dma_start3A_225 = arith.constant 0 : i32
    %dma_start3A_226 = tpu.memref_slice %arg5[%dma_start3A_221, %mul3A_2, %dma_start3A_225] : memref<4x2048x128xf32, #tpu.memory_space<hbm>> -> memref<1x64x128xf32, #tpu.memory_space<hbm>>
    %dma_start3A_227 = tpu.memref_squeeze %dma_start3A_226 : memref<1x64x128xf32, #tpu.memory_space<hbm>> -> memref<64x128xf32, #tpu.memory_space<hbm>>
    %dma_start3A_228 = arith.constant 0 : i32
    %dma_start3A_229 = tpu.memref_slice %arg5[%dma_start3A_221, %mul3A_2, %dma_start3A_228] : memref<4x2048x128xf32, #tpu.memory_space<hbm>> -> memref<1x64x128xf32, #tpu.memory_space<hbm>>
    %dma_start3A_230 = tpu.memref_squeeze %dma_start3A_229 : memref<1x64x128xf32, #tpu.memory_space<hbm>> -> memref<64x128xf32, #tpu.memory_space<hbm>>
    %dma_start3A_231 = arith.constant 192 : i32
    %dma_start3A_232 = arith.constant 0 : i32
    %dma_start3A_233 = tpu.memref_slice %arg7[%dma_start3A_231, %dma_start3A_232] : memref<256x128xf32, #tpu.memory_space<vmem>> -> memref<64x128xf32, #tpu.memory_space<vmem>>
    tpu.enqueue_dma source(%dma_start3A_233 : memref<64x128xf32, #tpu.memory_space<vmem>>) target(%dma_start3A_230 : memref<64x128xf32, #tpu.memory_space<hbm>>) target_semaphore(%arg13 : memref<!tpu.dma_semaphore, #tpu.memory_space<semaphore_mem>>)
    %dma_wait3A_234 = arith.constant 0 : i32
    %dma_wait3A_235 = arith.constant 0 : i32
    %dma_wait3A_236 = arith.constant 0 : i32
    %dma_wait3A_237 = tpu.memref_slice %arg7[%dma_wait3A_235, %dma_wait3A_236] : memref<256x128xf32, #tpu.memory_space<vmem>> -> memref<64x128xf32, #tpu.memory_space<vmem>>
    %dma_wait3A_238 = arith.constant 0 : i32
    %dma_wait3A_239 = tpu.memref_slice %arg5[%dma_wait3A_234, %mul3A_2, %dma_wait3A_238] : memref<4x2048x128xf32, #tpu.memory_space<hbm>> -> memref<1x64x128xf32, #tpu.memory_space<hbm>>
    %dma_wait3A_240 = tpu.memref_squeeze %dma_wait3A_239 : memref<1x64x128xf32, #tpu.memory_space<hbm>> -> memref<64x128xf32, #tpu.memory_space<hbm>>
    %dma_wait3A_241 = arith.constant 0 : i32
    %dma_wait3A_242 = tpu.memref_slice %arg5[%dma_wait3A_234, %mul3A_2, %dma_wait3A_241] : memref<4x2048x128xf32, #tpu.memory_space<hbm>> -> memref<1x64x128xf32, #tpu.memory_space<hbm>>
    %dma_wait3A_243 = tpu.memref_squeeze %dma_wait3A_242 : memref<1x64x128xf32, #tpu.memory_space<hbm>> -> memref<64x128xf32, #tpu.memory_space<hbm>>
    %dma_wait3A_244 = arith.constant 0 : i32
    %dma_wait3A_245 = arith.constant 0 : i32
    %dma_wait3A_246 = tpu.memref_slice %arg7[%dma_wait3A_244, %dma_wait3A_245] : memref<256x128xf32, #tpu.memory_space<vmem>> -> memref<64x128xf32, #tpu.memory_space<vmem>>
    tpu.wait_dma2 semaphore(%arg13 : memref<!tpu.dma_semaphore, #tpu.memory_space<semaphore_mem>>) src(%dma_wait3A_246 : memref<64x128xf32, #tpu.memory_space<vmem>>) dst(%dma_wait3A_243 : memref<64x128xf32, #tpu.memory_space<hbm>>)
    %dma_wait3A_247 = arith.constant 1 : i32
    %dma_wait3A_248 = arith.constant 64 : i32
    %dma_wait3A_249 = arith.constant 0 : i32
    %dma_wait3A_250 = tpu.memref_slice %arg7[%dma_wait3A_248, %dma_wait3A_249] : memref<256x128xf32, #tpu.memory_space<vmem>> -> memref<64x128xf32, #tpu.memory_space<vmem>>
    %dma_wait3A_251 = arith.constant 0 : i32
    %dma_wait3A_252 = tpu.memref_slice %arg5[%dma_wait3A_247, %mul3A_2, %dma_wait3A_251] : memref<4x2048x128xf32, #tpu.memory_space<hbm>> -> memref<1x64x128xf32, #tpu.memory_space<hbm>>
    %dma_wait3A_253 = tpu.memref_squeeze %dma_wait3A_252 : memref<1x64x128xf32, #tpu.memory_space<hbm>> -> memref<64x128xf32, #tpu.memory_space<hbm>>
    %dma_wait3A_254 = arith.constant 0 : i32
    %dma_wait3A_255 = tpu.memref_slice %arg5[%dma_wait3A_247, %mul3A_2, %dma_wait3A_254] : memref<4x2048x128xf32, #tpu.memory_space<hbm>> -> memref<1x64x128xf32, #tpu.memory_space<hbm>>
    %dma_wait3A_256 = tpu.memref_squeeze %dma_wait3A_255 : memref<1x64x128xf32, #tpu.memory_space<hbm>> -> memref<64x128xf32, #tpu.memory_space<hbm>>
    %dma_wait3A_257 = arith.constant 64 : i32
    %dma_wait3A_258 = arith.constant 0 : i32
    %dma_wait3A_259 = tpu.memref_slice %arg7[%dma_wait3A_257, %dma_wait3A_258] : memref<256x128xf32, #tpu.memory_space<vmem>> -> memref<64x128xf32, #tpu.memory_space<vmem>>
    tpu.wait_dma2 semaphore(%arg13 : memref<!tpu.dma_semaphore, #tpu.memory_space<semaphore_mem>>) src(%dma_wait3A_259 : memref<64x128xf32, #tpu.memory_space<vmem>>) dst(%dma_wait3A_256 : memref<64x128xf32, #tpu.memory_space<hbm>>)
    %dma_wait3A_260 = arith.constant 2 : i32
    %dma_wait3A_261 = arith.constant 128 : i32
    %dma_wait3A_262 = arith.constant 0 : i32
    %dma_wait3A_263 = tpu.memref_slice %arg7[%dma_wait3A_261, %dma_wait3A_262] : memref<256x128xf32, #tpu.memory_space<vmem>> -> memref<64x128xf32, #tpu.memory_space<vmem>>
    %dma_wait3A_264 = arith.constant 0 : i32
    %dma_wait3A_265 = tpu.memref_slice %arg5[%dma_wait3A_260, %mul3A_2, %dma_wait3A_264] : memref<4x2048x128xf32, #tpu.memory_space<hbm>> -> memref<1x64x128xf32, #tpu.memory_space<hbm>>
    %dma_wait3A_266 = tpu.memref_squeeze %dma_wait3A_265 : memref<1x64x128xf32, #tpu.memory_space<hbm>> -> memref<64x128xf32, #tpu.memory_space<hbm>>
    %dma_wait3A_267 = arith.constant 0 : i32
    %dma_wait3A_268 = tpu.memref_slice %arg5[%dma_wait3A_260, %mul3A_2, %dma_wait3A_267] : memref<4x2048x128xf32, #tpu.memory_space<hbm>> -> memref<1x64x128xf32, #tpu.memory_space<hbm>>
    %dma_wait3A_269 = tpu.memref_squeeze %dma_wait3A_268 : memref<1x64x128xf32, #tpu.memory_space<hbm>> -> memref<64x128xf32, #tpu.memory_space<hbm>>
    %dma_wait3A_270 = arith.constant 128 : i32
    %dma_wait3A_271 = arith.constant 0 : i32
    %dma_wait3A_272 = tpu.memref_slice %arg7[%dma_wait3A_270, %dma_wait3A_271] : memref<256x128xf32, #tpu.memory_space<vmem>> -> memref<64x128xf32, #tpu.memory_space<vmem>>
    tpu.wait_dma2 semaphore(%arg13 : memref<!tpu.dma_semaphore, #tpu.memory_space<semaphore_mem>>) src(%dma_wait3A_272 : memref<64x128xf32, #tpu.memory_space<vmem>>) dst(%dma_wait3A_269 : memref<64x128xf32, #tpu.memory_space<hbm>>)
    %dma_wait3A_273 = arith.constant 3 : i32
    %dma_wait3A_274 = arith.constant 192 : i32
    %dma_wait3A_275 = arith.constant 0 : i32
    %dma_wait3A_276 = tpu.memref_slice %arg7[%dma_wait3A_274, %dma_wait3A_275] : memref<256x128xf32, #tpu.memory_space<vmem>> -> memref<64x128xf32, #tpu.memory_space<vmem>>
    %dma_wait3A_277 = arith.constant 0 : i32
    %dma_wait3A_278 = tpu.memref_slice %arg5[%dma_wait3A_273, %mul3A_2, %dma_wait3A_277] : memref<4x2048x128xf32, #tpu.memory_space<hbm>> -> memref<1x64x128xf32, #tpu.memory_space<hbm>>
    %dma_wait3A_279 = tpu.memref_squeeze %dma_wait3A_278 : memref<1x64x128xf32, #tpu.memory_space<hbm>> -> memref<64x128xf32, #tpu.memory_space<hbm>>
    %dma_wait3A_280 = arith.constant 0 : i32
    %dma_wait3A_281 = tpu.memref_slice %arg5[%dma_wait3A_273, %mul3A_2, %dma_wait3A_280] : memref<4x2048x128xf32, #tpu.memory_space<hbm>> -> memref<1x64x128xf32, #tpu.memory_space<hbm>>
    %dma_wait3A_282 = tpu.memref_squeeze %dma_wait3A_281 : memref<1x64x128xf32, #tpu.memory_space<hbm>> -> memref<64x128xf32, #tpu.memory_space<hbm>>
    %dma_wait3A_283 = arith.constant 192 : i32
    %dma_wait3A_284 = arith.constant 0 : i32
    %dma_wait3A_285 = tpu.memref_slice %arg7[%dma_wait3A_283, %dma_wait3A_284] : memref<256x128xf32, #tpu.memory_space<vmem>> -> memref<64x128xf32, #tpu.memory_space<vmem>>
    tpu.wait_dma2 semaphore(%arg13 : memref<!tpu.dma_semaphore, #tpu.memory_space<semaphore_mem>>) src(%dma_wait3A_285 : memref<64x128xf32, #tpu.memory_space<vmem>>) dst(%dma_wait3A_282 : memref<64x128xf32, #tpu.memory_space<hbm>>)
    return
  }
}

</mosaic_0001>

<sc_bundles>
// kernel: kernel.3.cloned.1.call-start
scs
__scs_entry_jumppad:
0x0: {  	(pc) =	sbr.rel $0x88, $3  }
0x1: {  	(tag) =	ssettag $0x0;
	lr =	simm.s32 $0x1  }
0x2: {  	[smem:$0x3F9E] =	sst lr;
	_ =	strace $0xD0000000  }
0x3: {  	_ = 	snop  }
0x4: {  	_ = 	snop  }
0x5: {  	_ = 	snop  }
0x6: {  	_ = 	snop  }
0x7: {  	_ = 	snop  }
__scs_overlays_trampoline_lowered:
0x8: {  	[smem:$0x3FAD] =	sst s0  }
0x9: {  	[smem:$0x3FAE] =	sst s1  }
0xa: {  	[smem:$0x3FAF] =	sst s2  }
0xb: {  	[smem:$0x3FB0] =	sst s3  }
0xc: {  	[smem:$0x3FB1] =	sst s4  }
0xd: {  	[smem:$0x3FB2] =	sst s5  }
0xe: {  	[smem:$0x3FB3] =	sst s6  }
0xf: {  	[smem:$0x3FB4] =	sst s7  }
0x10: {  	[smem:$0x3FB5] =	sst s8  }
0x11: {  	[smem:$0x3FB6] =	sst s9;
	s0 =	simm.s32 @!p0 $0x0  }
0x12: {  	s1 =	sld [smem:$0x3F9C];
	s0 =	simm.s32 @p0 $0x1  }
0x13: {  	[smem:$0x3FB7] =	sst s0;
	s0 =	simm.s32 @!p1 $0x0  }
0x14: {  	s2 =	sld [smem:$0x3F9B];
	s0 =	simm.s32 @p1 $0x1  }
0x15: {  	[smem:$0x3FB8] =	sst s0;
	s0 =	simm.s32 @!p2 $0x0  }
0x16: {  	s3 =	sld [smem:$0x3FDB];
	s0 =	simm.s32 @p2 $0x1  }
0x17: {  	s4 =	simm.s32 $0x1BF5;
	[smem:$0x3FBA] =	sst s0  }
0x18: {  	s0 =	sld [smem:$0x3F9D];
	_ =	swait.ge [sflag:s4], $0x0  }
0x19: {  	s7 =	sld [smem:$0x3F9E]  }
0x1a: {  	s8 =	sadd.s32 $0xFFFFE003, lr  }
0x1b: {  	s9 =	sadd.s32 $0xFFFFFEF7, lr;
	s5 =	simm.s32 $0xFFFFFFFF;
	p2 =	slt.u32 s8, $0xFFFFF086  }
0x1c: {  	p1 =	slt.u32 s9, $0xF7A;
	s5 =	simm.s32 @!p2 $0x0  }
0x1d: {  	s5 =	simm.s32 @p1 $0x1;
	p0 =	seq.s32 s7, s2  }
0x1e: {  	s7 =	smul.u32 @!p0 $0xF7A, s2;
	p2 =	seq.s32 @!p0 s5, $0x0  }
0x1f: {  	s9 =	smul.u32 $0xF7A, s1;
	s8 =	simm.s32 @!p0 $0x1BF5;
	p2 =	por !p2, p0  }
0x20: {  	[sflag:s8] =	ssyncset.s32 @!p0 $0xFFFFF086;
	s6 =	sadd.s32 @!p0 s3, s7;
	s7 =	simm.s32 @!p0 $0x108  }
0x21: {  	s3 =	sadd.s32 s3, s9;
	s6 =	sadd.s32 @!p0 $0x88, s6;
	s7 =	simm.s32 @p2 $0x1082  }
0x22: {  	[simem:s7], [sflag:s8] =	dma.local @!p0 [hbm:s6], $0xF7A  }
0x23: {  	s9 =	sor.u32 $0xD0000000, s2;
	s6 =	simm.s32 $0x108;
	_ =	swait.ge @!p0 [sflag:s8], $0x0  }
0x24: {  	s3 =	sadd.s32 $0x88, s3;
	s6 =	simm.s32 @!p1 $0x1082;
	[sflag:s4] =	ssyncset.s32 $0xFFFFF086  }
0x25: {  	[simem:s6], [sflag:s4] =	dma.local [hbm:s3], $0xF7A  }
0x26: {  	[smem:$0x3F9E] =	sst s1;
	(tag) =	ssettag s2;
	_ =	strace s9  }
0x27: {  	s1 =	sld [smem:$0x3FAE]  }
0x28: {  	s2 =	sld [smem:$0x3FAF]  }
0x29: {  	s4 =	sld [smem:$0x3FB1]  }
0x2a: {  	p0 =	seq.s32 s5, $0x0;
	s5 =	sld [smem:$0x3FB2]  }
0x2b: {  	s6 =	sld [smem:$0x3FB3]  }
0x2c: {  	s7 =	sld [smem:$0x3FB4]  }
0x2d: {  	s3 =	simm.s32 $0x108;
	s8 =	sld [smem:$0x3FB5]  }
0x2e: {  	s3 =	simm.s32 @!p0 $0x1082;
	s9 =	sld [smem:$0x3FB6]  }
0x2f: {  	lr =	sadd.s32 s0, s3;
	s0 =	sld [smem:$0x3FAD]  }
0x30: {  	s3 =	sld [smem:$0x3FB0]  }
0x31: {  	[smem:$0x3FB9] =	sst s10  }
0x32: {  	s10 =	sld [smem:$0x3FB7];
	_ =	sdelay $0x3  }
0x33: {  	p0 =	seq.s32 s10, $0x1;
	s10 =	sld [smem:$0x3FB9];
	_ =	sdelay $0x3  }
0x34: {  	[smem:$0x3FB9] =	sst s10  }
0x35: {  	s10 =	sld [smem:$0x3FB8];
	_ =	sdelay $0x3  }
0x36: {  	p1 =	seq.s32 s10, $0x1;
	s10 =	sld [smem:$0x3FB9];
	_ =	sdelay $0x3  }
0x37: {  	[smem:$0x3FB9] =	sst s10  }
0x38: {  	s10 =	sld [smem:$0x3FBA]  }
0x39: {  	_ = 	snop;
	(pc) =	sbr.ind lr, $3  }
0x3a: {  	_ = 	snop  }
0x3b: {  	_ = 	snop  }
0x3c: {  	p2 =	seq.s32 s10, $0x1;
	s10 =	sld [smem:$0x3FB9]  }
0x3d: {  	_ =	shalt  }
0x3e: {  	_ =	shalt  }
0x3f: {  	_ =	shalt  }
0x40: {  	_ =	shalt  }
0x41: {  	_ =	shalt  }
0x42: {  	_ =	shalt  }
0x43: {  	_ =	shalt  }
0x44: {  	_ =	shalt  }
0x45: {  	_ =	shalt  }
0x46: {  	_ =	shalt  }
0x47: {  	_ =	shalt  }
0x48: {  	_ =	shalt  }
0x49: {  	_ =	shalt  }
0x4a: {  	_ =	shalt  }
0x4b: {  	_ =	shalt  }
0x4c: {  	_ =	shalt  }
0x4d: {  	_ =	shalt  }
0x4e: {  	_ =	shalt  }
0x4f: {  	_ =	shalt  }
0x50: {  	_ =	shalt  }
0x51: {  	_ =	shalt  }
0x52: {  	_ =	shalt  }
0x53: {  	_ =	shalt  }
0x54: {  	_ =	shalt  }
0x55: {  	_ =	shalt  }
0x56: {  	_ =	shalt  }
0x57: {  	_ =	shalt  }
0x58: {  	_ =	shalt  }
0x59: {  	_ =	shalt  }
0x5a: {  	_ =	shalt  }
0x5b: {  	_ =	shalt  }
0x5c: {  	_ =	shalt  }
0x5d: {  	_ =	shalt  }
0x5e: {  	_ =	shalt  }
0x5f: {  	_ =	shalt  }
0x60: {  	_ =	shalt  }
0x61: {  	_ =	shalt  }
0x62: {  	_ =	shalt  }
0x63: {  	_ =	shalt  }
0x64: {  	_ =	shalt  }
0x65: {  	_ =	shalt  }
0x66: {  	_ =	shalt  }
0x67: {  	_ =	shalt  }
0x68: {  	_ =	shalt  }
0x69: {  	_ =	shalt  }
0x6a: {  	_ =	shalt  }
0x6b: {  	_ =	shalt  }
0x6c: {  	_ =	shalt  }
0x6d: {  	_ =	shalt  }
0x6e: {  	_ =	shalt  }
0x6f: {  	_ =	shalt  }
0x70: {  	_ =	shalt  }
0x71: {  	_ =	shalt  }
0x72: {  	_ =	shalt  }
0x73: {  	_ =	shalt  }
0x74: {  	_ =	shalt  }
0x75: {  	_ =	shalt  }
0x76: {  	_ =	shalt  }
0x77: {  	_ =	shalt  }
0x78: {  	_ =	shalt  }
0x79: {  	_ =	shalt  }
0x7a: {  	_ =	shalt  }
0x7b: {  	_ =	shalt  }
0x7c: {  	_ =	shalt  }
0x7d: {  	_ =	shalt  }
0x7e: {  	_ =	shalt  }
0x7f: {  	_ =	shalt  }
0x80: {  	_ =	shalt  }
0x81: {  	_ =	shalt  }
0x82: {  	_ =	shalt  }
0x83: {  	_ =	shalt  }
0x84: {  	_ =	shalt  }
0x85: {  	_ =	shalt  }
0x86: {  	_ =	shalt  }
0x87: {  	_ =	shalt  }
.Lfunc_end0:
.L_simem_size_0:
called_computation_lowered:
.L_overlay_start_0:
0x88: {  	s2 =	sld [smem:$0x3FD9]  }
0x89: {  	s3 =	sld [smem:$0x3FFE];
	_ =	sdelay $0x1  }
0x8a: {  	s1 =	srdreg.scid  }
0x8b: {  	s0 =	sand.u32 $0x1, s1  }
0x8c: {  	s18 =	sshll.u32 s0, $0xA;
	s2 =	sadd.s32 s3, s2  }
0x8d: {  	s2 =	sadd.s32 s2, s18  }
0x8e: {  	[smem:$0x3FC5] =	sst s2  }
0x8f: {  	_ = 	snop  }
0x90: {  	s2 =	sld [smem:$0x3FC9]  }
0x91: {  	s19 =	sld [smem:$0x3FC8]  }
0x92: {  	s4 =	sld [smem:$0x3FC7]  }
0x93: {  	s5 =	sld [smem:$0x3FD0];
	(tm) =	ssettm $0x1  }
0x94: {  	s6 =	sld [smem:$0x3FFB];
	_ =	sdelay $0x3  }
0x95: {  	_ =	strace s6  }
0x96: {  	s6 =	sld [smem:$0x3FFC];
	_ =	sdelay $0x3  }
0x97: {  	_ =	strace s6  }
0x98: {  	s6 =	sld [smem:$0x3FFD];
	_ =	sdelay $0x3  }
0x99: {  	_ =	strace s6  }
0x9a: {  	_ =	strace $0x8FFFFFFF  }
0x9b: {  	s20 =	sld [smem:$0x3FDB];
	_ =	sdelay $0x1  }
0x9c: {  	s7 =	simm.s32 $_scs_section_size  }
0x9d: {  	s8 =	simm.s32 $_size__tile_overlayer_lowered;
	s9 =	simm.s32 $_tile_overlayer_lowered  }
0x9e: {  	s23 =	simm.s32 $0x1BFF;
	s22 =	sshll.u32 s9, $0x1;
	s6 =	sadd.s32 s7, s20  }
0x9f: {  	s10 =	simm.s32 $0x0;
	s21 =	sshll.u32 s8, $0x1;
	s8 =	sadd.s32 s22, s6  }
0xa0: {  	[timem:s10], [sflag:s23] =	dma.local [hbm:s8], s21  }
0xa1: {  	_ =	swait.ge [sflag:s23], s21  }
0xa2: {  	s7 =	ssub.s32 $0x0, s21;
	[sflag:s23] =	ssyncset.done $0x0  }
0xa3: {  	[sflag:s23] =	ssyncadd.s32 s7;
	_ =	sdelay $0x1  }
0xa4: {  	s24 =	simm.s32 $0x1B8B  }
0xa5: {  	_ =	swait.ge [sflag:s24], $0x1  }
0xa6: {  	[sflag:s24] =	ssyncset.done $0x0  }
0xa7: {  	s25 =	simm.s32 $0x1B8E;
	[sflag:s24] =	ssyncadd.s32 $0xFFFFFFFF  }
0xa8: {  	s26 =	simm.s32 $execute0_lowered;
	[smem:$0x3FD2] =	sst s25  }
0xa9: {  	s7 =	sshll.u32 s26, $0x1;
	_ =	strace $0x80000046;
	[dreg:$0x1] =	wrdreg $0xFFFFFFFF  }
0xaa: {  	s28 =	simm.s32 $_size_execute0_lowered;
	s6 =	sadd.s32 s6, s7;
	[dreg:$0x0] =	wrdreg $0x0  }
0xab: {  	s7 =	sshll.u32 s28, $0x1;
	[dreg:$0x2] =	wrdreg s6  }
0xac: {  	[dreg:$0x3] =	wrdreg s7  }
0xad: {  	[dreg:$0x4] =	wrdreg $0xC0  }
0xae: {  	_ =	task [dreg:s10], $0x5FFFF  }
0xaf: {  	[dreg:$0x1] =	wrdreg $0xFFFFFFFF  }
0xb0: {  	[dreg:$0x0] =	wrdreg $0x60  }
0xb1: {  	[dreg:$0x2] =	wrdreg s2  }
0xb2: {  	[dreg:$0x3] =	wrdreg s19  }
0xb3: {  	[dreg:$0x4] =	wrdreg s4  }
0xb4: {  	[dreg:$0x5] =	wrdreg s5  }
0xb5: {  	[dreg:$0x6] =	wrdreg $0x9  }
0xb6: {  	_ =	task.clear_ibuf [dreg:s10], $0x7FFFF;
	_ =	strace $0x90000046  }
0xb7: {  	s29 =	simm.s32 $0x9;
	_ =	strace $0x80000048  }
0xb8: {  	_ =	swait.ge [sflag:s29], $0x1  }
0xb9: {  	[sflag:s29] =	ssyncadd.s32 $0xFFFFFFFF  }
0xba: {  	_ =	strace $0x90000048  }
0xbb: {  	_ =	sfence  }
0xbc: {  	s30 =	sld [smem:$0x0];
	_ =	sdelay $0x2  }
0xbd: {  	s31 =	sshll.u32 s1, $0xD;
	s1 =	sshrl.u32 s1, $0x2  }
0xbe: {  	s3 =	sand.u32 $0x4000, s31;
	s1 =	sadd.s32 s1, s30  }
0xbf: {  	s0 =	sor.u32 s3, s0;
	s1 =	sshll.u32 s1, $0x11  }
0xc0: {  	s0 =	sor.u32 s1, s0  }
0xc1: {  	s0 =	sadd.s32 $0x8F2B, s0  }
0xc2: {  	[sflag:s0] =	ssyncadd.remote.s32 $0x1  }
0xc3: {  	_ =	sfence.sel $0xFFFF  }
0xc4: {  	[dreg:$0x0] =	wrdreg $0xFFFFFFFF;
	(pc) =	sbr.abs _section_cstart, $3  }
0xc5: {  	[dreg:$0x1] =	wrdreg $0xFFFFFFFF  }
0xc6: {  	_ =	task.clear_ibuf [dreg:s10], $0x2FFFF;
	_ =	strace $0x9FFFFFFF  }
0xc7: {  	(tm) =	ssettm $0x7FFFFFFF  }
tec
execute0_lowered:
.L_overlay_start_1:
0x0: {  	(tag) =	ssettag $0x1  }
0x1: {  	s2 =	rddreg [dreg:$0x0]  }
0x2: {  	s1 =	rddreg [dreg:$0x1]  }
0x3: {  	s0 =	srdreg.scid;
	s9 =	rddreg [dreg:$0x2]  }
0x4: {  	s3 =	stileid.u32;
	s8 =	rddreg [dreg:$0x3]  }
0x5: {  	s14 =	simm.s32 $0x40;
	s15 =	simm.s32 $0x80;
	s16 =	simm.s32 $0xC0  }
0x6: {  	s17 =	simm.s32 $0x100;
	s18 =	simm.s32 $0x8100;
	s19 =	simm.s32 $0x6  }
0x7: {  	s20 =	simm.s32 $0x7;
	s21 =	simm.s32 $0x5;
	s22 =	simm.s32 $0x2100  }
0x8: {  	s23 =	simm.s32 $0x4100;
	s24 =	simm.s32 $0x6100;
	s25 =	simm.s32 $0x1  }
0x9: {  	s26 =	simm.s32 $0x2;
	s28 =	simm.s32 $0x3;
	s0 =	sand.u32 $0x1, s0  }
0xa: {  	s29 =	simm.s32 $0x4;
	s3 =	sshll.u32 s3, $0x7;
	s5 =	sshll.u32 s0, $0x6  }
0xb: {  	s30 =	simm.s32 $0x0;
	s0 =	ssub.s32 $0x2, s0;
	s6 =	sor.u32 s5, s3  }
0xc: {  	s3 =	simm.s32 $0x0;
	s10 =	sshrl.u32 s0, $0x1;
	s7 =	sshll.u32 s6, $0x2  }
0xd: {  	[smem:$0x7FF] =	sst s3;
	s0 =	ssub.s32 s0, s10;
	s11 =	sshll.u32 s6, $0x4  }
0xe: {  	s4 =	sand.u32 $0x1E00, s7;
	_ =	strace $0x80000047;
	s7 =	sor.u32 s5, s7  }
0xf: {  	s8 =	sadd.s32 s8, s11;
	s9 =	sadd.s32 s9, s11;
	s13 =	smax.u32 s0, $0x1  }
0x10: {  	s4 =	sor.u32 s5, s4;
	s7 =	sshrl.u32 s7, $0x3;
	s10 =	sadd.s32 $0x8000, s8  }
0x11: {  	s11 =	sadd.s32 $0x10000, s8;
	s12 =	sadd.s32 $0x18000, s8;
	s4 =	sshrl.u32 s4, $0x3  }
0x12: {  	s31 =	sor.u32 $0x20, s7;
	s7 =	sor.u32 $0x30, s7;
	s4 =	sadd.s32 s2, s4  }
0x13: {  	s6 =	sadd.s32 s2, s31;
	s7 =	sadd.s32 s2, s7;
	s5 =	sadd.s32 $0x10, s4  }
.LBB2_1:
0x14: {  	[tilespmem:s3], [sflag:$0x6] =	stream.linear.gather [hbm4b:s4+s3], $0x40, $0x38;
	[tilespmem:$0xA100] =	vst v63  }
0x15: {  	_ = 	snop  }
0x16: {  	[tilespmem:s14], [sflag:$0x6] =	stream.linear.gather [hbm4b:s5+s3], $0x40, $0x38;
	[tilespmem:$0xA100] =	vst v63  }
0x17: {  	_ = 	snop  }
0x18: {  	[tilespmem:s15], [sflag:$0x6] =	stream.linear.gather [hbm4b:s6+s3], $0x40, $0x38;
	[tilespmem:$0xA100] =	vst v63  }
0x19: {  	_ = 	snop  }
0x1a: {  	[tilespmem:s16], [sflag:$0x6] =	stream.linear.gather [hbm4b:s7+s3], $0x40, $0x38;
	[tilespmem:$0xA100] =	vst v63  }
0x1b: {  	_ = 	snop  }
0x1c: {  	[tilespmem:s17], [sflag:$0x7] =	stream.linear.gather [hbm4b:s9+s3], $0x2000, $0x38;
	[tilespmem:$0xA100] =	vst v63  }
0x1d: {  	_ = 	snop  }
0x1e: {  	[tilespmem:s18], [sflag:$0x5] =	stream.linear.gather [hbm4b:s9+s3], $0x2000, $0x38;
	[tilespmem:$0xA100] =	vst v63  }
0x1f: {  	_ =	swait.ge [sflag:s19], $0x40  }
0x20: {  	[sflag:s19] =	ssyncset.done $0x0  }
0x21: {  	[sflag:s19] =	ssyncadd.s32 $0xFFFFFFC0  }
0x22: {  	_ =	swait.ge [sflag:s19], $0x40  }
0x23: {  	[sflag:s19] =	ssyncset.done $0x0  }
0x24: {  	[sflag:s19] =	ssyncadd.s32 $0xFFFFFFC0  }
0x25: {  	_ =	swait.ge [sflag:s19], $0x40  }
0x26: {  	[sflag:s19] =	ssyncset.done $0x0  }
0x27: {  	[sflag:s19] =	ssyncadd.s32 $0xFFFFFFC0  }
0x28: {  	_ =	swait.ge [sflag:s19], $0x40  }
0x29: {  	[sflag:s19] =	ssyncset.done $0x0  }
0x2a: {  	[sflag:s19] =	ssyncadd.s32 $0xFFFFFFC0  }
0x2b: {  	_ =	swait.ge [sflag:s20], $0x2000  }
0x2c: {  	[sflag:s20] =	ssyncset.done $0x0  }
0x2d: {  	[sflag:s20] =	ssyncadd.s32 $0xFFFFE000  }
0x2e: {  	[tilespmem:s17], [sflag:$0x1] =	stream.indirect.gather.add.f32 [hbm:s1], $0x80, s3, s14, $0xb8;
	[tilespmem:$0xA100] =	vst v63  }
0x2f: {  	_ =	swait.ge [sflag:s21], $0x2000  }
0x30: {  	[sflag:s21] =	ssyncset.done $0x0  }
0x31: {  	s31 =	simm.s32 $0x0;
	[sflag:s21] =	ssyncadd.s32 $0xFFFFE000  }
0x32: {  	v3 =	vld [tilespmem:s31+$0x8170]  }
0x33: {  	v4 =	vld [tilespmem:s31+$0x8100]  }
0x34: {  	v5 =	vld [tilespmem:s31+$0x8110]  }
0x35: {  	v2 =	vld [tilespmem:s31+$0x8120]  }
0x36: {  	v0 =	vld [tilespmem:s31+$0x8130]  }
0x37: {  	v1 =	vld [tilespmem:s31+$0x8140];
	[tilespmem:s31+$0x2170] =	vst v3  }
0x38: {  	[tilespmem:s31+$0x2100] =	vst v4;
	v3 =	vld [tilespmem:s31+$0x8150]  }
0x39: {  	s2 =	simm.s32 $0x80;
	s0 =	simm.s32 $0x400;
	[tilespmem:s31+$0x2110] =	vst v5;
	v4 =	vld [tilespmem:s31+$0x8160]  }
.LBB2_2:
0x3a: {  	p0 =	sne.s32 s0, $0x7E00;
	v5 =	vld [tilespmem:s2+$0x8170];
	[tilespmem:s31+$0x2120] =	vst v2  }
0x3b: {  	v6 =	vld [tilespmem:s2+$0x8100];
	[tilespmem:s31+$0x2130] =	vst v0  }
0x3c: {  	v7 =	vld [tilespmem:s2+$0x8110];
	[tilespmem:s31+$0x2140] =	vst v1  }
.Ltmp0:
0x3d: {  	v2 =	vld [tilespmem:s2+$0x8120];
	[tilespmem:s31+$0x2150] =	vst v3;
	(pc) =	sbr.rel @p0 .LBB2_2-.Ltmp0, $4  }
0x3e: {  	v0 =	vld [tilespmem:s2+$0x8130];
	[tilespmem:s31+$0x2160] =	vst v4;
	s31 =	smov.u32 s2  }
0x3f: {  	v1 =	vld [tilespmem:s31+$0x8140];
	[tilespmem:s31+$0x2170] =	vst v5  }
0x40: {  	[tilespmem:s31+$0x2100] =	vst v6;
	v3 =	vld [tilespmem:s31+$0x8150]  }
0x41: {  	s2 =	sshra.s32 s0, $0x2;
	s0 =	sadd.s32 $0x200, s0;
	[tilespmem:s31+$0x2110] =	vst v7;
	v4 =	vld [tilespmem:s31+$0x8160]  }
0x42: {  	v5 =	vld [tilespmem:s2+$0x8170];
	[tilespmem:s31+$0x2120] =	vst v2  }
0x43: {  	v2 =	vld [tilespmem:s2+$0x8100];
	[tilespmem:s31+$0x2130] =	vst v0  }
0x44: {  	v0 =	vld [tilespmem:s2+$0x8110];
	[tilespmem:s31+$0x2140] =	vst v1  }
0x45: {  	v1 =	vld [tilespmem:s2+$0x8120];
	[tilespmem:s31+$0x2150] =	vst v3  }
0x46: {  	v3 =	vld [tilespmem:s2+$0x8130];
	[tilespmem:s31+$0x2160] =	vst v4  }
0x47: {  	v4 =	vld [tilespmem:s2+$0x8140];
	[tilespmem:s2+$0x2170] =	vst v5  }
0x48: {  	[tilespmem:s2+$0x2100] =	vst v2;
	v2 =	vld [tilespmem:s2+$0x8150]  }
0x49: {  	[tilespmem:s2+$0x2110] =	vst v0;
	v0 =	vld [tilespmem:s2+$0x8160]  }
0x4a: {  	[tilespmem:s2+$0x2120] =	vst v1  }
0x4b: {  	[tilespmem:s2+$0x2130] =	vst v3  }
0x4c: {  	[tilespmem:s2+$0x2140] =	vst v4  }
0x4d: {  	[tilespmem:s2+$0x2150] =	vst v2  }
0x4e: {  	s31 =	simm.s32 $0x0;
	[tilespmem:s2+$0x2160] =	vst v0  }
0x4f: {  	[tilespmem:s22], [sflag:$0x2] =	stream.indirect.gather.add.f32 [hbm:s1], $0x80, s14, s14, $0xb8;
	[tilespmem:$0xA100] =	vst v63  }
0x50: {  	v3 =	vld [tilespmem:s31+$0x8170]  }
0x51: {  	v4 =	vld [tilespmem:s31+$0x8100]  }
0x52: {  	v5 =	vld [tilespmem:s31+$0x8110]  }
0x53: {  	v2 =	vld [tilespmem:s31+$0x8120]  }
0x54: {  	v0 =	vld [tilespmem:s31+$0x8130]  }
0x55: {  	v1 =	vld [tilespmem:s31+$0x8140];
	[tilespmem:s31+$0x4170] =	vst v3  }
0x56: {  	[tilespmem:s31+$0x4100] =	vst v4;
	v3 =	vld [tilespmem:s31+$0x8150]  }
0x57: {  	s0 =	simm.s32 $0x400;
	s2 =	simm.s32 $0x80;
	[tilespmem:s31+$0x4110] =	vst v5;
	v4 =	vld [tilespmem:s31+$0x8160]  }
.LBB2_4:
0x58: {  	p0 =	sne.s32 s0, $0x7E00;
	v5 =	vld [tilespmem:s2+$0x8170];
	[tilespmem:s31+$0x4120] =	vst v2  }
0x59: {  	v6 =	vld [tilespmem:s2+$0x8100];
	[tilespmem:s31+$0x4130] =	vst v0  }
0x5a: {  	v7 =	vld [tilespmem:s2+$0x8110];
	[tilespmem:s31+$0x4140] =	vst v1  }
.Ltmp1:
0x5b: {  	v2 =	vld [tilespmem:s2+$0x8120];
	[tilespmem:s31+$0x4150] =	vst v3;
	(pc) =	sbr.rel @p0 .LBB2_4-.Ltmp1, $4  }
0x5c: {  	v0 =	vld [tilespmem:s2+$0x8130];
	[tilespmem:s31+$0x4160] =	vst v4;
	s31 =	smov.u32 s2  }
0x5d: {  	v1 =	vld [tilespmem:s31+$0x8140];
	[tilespmem:s31+$0x4170] =	vst v5  }
0x5e: {  	[tilespmem:s31+$0x4100] =	vst v6;
	v3 =	vld [tilespmem:s31+$0x8150]  }
0x5f: {  	s2 =	sshra.s32 s0, $0x2;
	s0 =	sadd.s32 $0x200, s0;
	[tilespmem:s31+$0x4110] =	vst v7;
	v4 =	vld [tilespmem:s31+$0x8160]  }
0x60: {  	v5 =	vld [tilespmem:s2+$0x8170];
	[tilespmem:s31+$0x4120] =	vst v2  }
0x61: {  	v2 =	vld [tilespmem:s2+$0x8100];
	[tilespmem:s31+$0x4130] =	vst v0  }
0x62: {  	v0 =	vld [tilespmem:s2+$0x8110];
	[tilespmem:s31+$0x4140] =	vst v1  }
0x63: {  	v1 =	vld [tilespmem:s2+$0x8120];
	[tilespmem:s31+$0x4150] =	vst v3  }
0x64: {  	v3 =	vld [tilespmem:s2+$0x8130];
	[tilespmem:s31+$0x4160] =	vst v4  }
0x65: {  	v4 =	vld [tilespmem:s2+$0x8140];
	[tilespmem:s2+$0x4170] =	vst v5  }
0x66: {  	[tilespmem:s2+$0x4100] =	vst v2;
	v2 =	vld [tilespmem:s2+$0x8150]  }
0x67: {  	[tilespmem:s2+$0x4110] =	vst v0;
	v0 =	vld [tilespmem:s2+$0x8160]  }
0x68: {  	[tilespmem:s2+$0x4120] =	vst v1  }
0x69: {  	[tilespmem:s2+$0x4130] =	vst v3  }
0x6a: {  	[tilespmem:s2+$0x4140] =	vst v4  }
0x6b: {  	[tilespmem:s2+$0x4150] =	vst v2  }
0x6c: {  	s31 =	simm.s32 $0x0;
	[tilespmem:s2+$0x4160] =	vst v0  }
0x6d: {  	[tilespmem:s23], [sflag:$0x3] =	stream.indirect.gather.add.f32 [hbm:s1], $0x80, s15, s14, $0xb8;
	[tilespmem:$0xA100] =	vst v63  }
0x6e: {  	v3 =	vld [tilespmem:s31+$0x8170]  }
0x6f: {  	v4 =	vld [tilespmem:s31+$0x8100]  }
0x70: {  	v5 =	vld [tilespmem:s31+$0x8110]  }
0x71: {  	v2 =	vld [tilespmem:s31+$0x8120]  }
0x72: {  	v0 =	vld [tilespmem:s31+$0x8130]  }
0x73: {  	v1 =	vld [tilespmem:s31+$0x8140];
	[tilespmem:s31+$0x6170] =	vst v3  }
0x74: {  	[tilespmem:s31+$0x6100] =	vst v4;
	v3 =	vld [tilespmem:s31+$0x8150]  }
0x75: {  	s0 =	simm.s32 $0x400;
	s2 =	simm.s32 $0x80;
	[tilespmem:s31+$0x6110] =	vst v5;
	v4 =	vld [tilespmem:s31+$0x8160]  }
.LBB2_6:
0x76: {  	p0 =	sne.s32 s0, $0x7E00;
	v5 =	vld [tilespmem:s2+$0x8170];
	[tilespmem:s31+$0x6120] =	vst v2  }
0x77: {  	v6 =	vld [tilespmem:s2+$0x8100];
	[tilespmem:s31+$0x6130] =	vst v0  }
0x78: {  	v7 =	vld [tilespmem:s2+$0x8110];
	[tilespmem:s31+$0x6140] =	vst v1  }
.Ltmp2:
0x79: {  	v2 =	vld [tilespmem:s2+$0x8120];
	[tilespmem:s31+$0x6150] =	vst v3;
	(pc) =	sbr.rel @p0 .LBB2_6-.Ltmp2, $4  }
0x7a: {  	v0 =	vld [tilespmem:s2+$0x8130];
	[tilespmem:s31+$0x6160] =	vst v4;
	s31 =	smov.u32 s2  }
0x7b: {  	v1 =	vld [tilespmem:s31+$0x8140];
	[tilespmem:s31+$0x6170] =	vst v5  }
0x7c: {  	[tilespmem:s31+$0x6100] =	vst v6;
	v3 =	vld [tilespmem:s31+$0x8150]  }
0x7d: {  	s2 =	sshra.s32 s0, $0x2;
	s0 =	sadd.s32 $0x200, s0;
	[tilespmem:s31+$0x6110] =	vst v7;
	v4 =	vld [tilespmem:s31+$0x8160]  }
0x7e: {  	v5 =	vld [tilespmem:s2+$0x8170];
	[tilespmem:s31+$0x6120] =	vst v2  }
0x7f: {  	v2 =	vld [tilespmem:s2+$0x8100];
	[tilespmem:s31+$0x6130] =	vst v0  }
0x80: {  	v0 =	vld [tilespmem:s2+$0x8110];
	[tilespmem:s31+$0x6140] =	vst v1  }
0x81: {  	v1 =	vld [tilespmem:s2+$0x8120];
	[tilespmem:s31+$0x6150] =	vst v3  }
0x82: {  	v3 =	vld [tilespmem:s2+$0x8130];
	[tilespmem:s31+$0x6160] =	vst v4  }
0x83: {  	v4 =	vld [tilespmem:s2+$0x8140];
	[tilespmem:s2+$0x6170] =	vst v5  }
0x84: {  	v62 =	vld [tilespmem:s2+$0x8150];
	[tilespmem:s2+$0x6100] =	vst v2  }
0x85: {  	v63 =	vld [tilespmem:s2+$0x8160];
	[tilespmem:s2+$0x6110] =	vst v0  }
0x86: {  	[tilespmem:s2+$0x6120] =	vst v1  }
0x87: {  	[tilespmem:s2+$0x6130] =	vst v3  }
0x88: {  	[tilespmem:s2+$0x6140] =	vst v4  }
0x89: {  	[tilespmem:s2+$0x6150] =	vst v62  }
0x8a: {  	[tilespmem:s2+$0x6160] =	vst v63  }
0x8b: {  	[tilespmem:s24], [sflag:$0x4] =	stream.indirect.gather.add.f32 [hbm:s1], $0x80, s16, s14, $0xb8;
	[tilespmem:$0xA100] =	vst v63  }
0x8c: {  	_ =	swait.ge [sflag:s25], $0x2000  }
0x8d: {  	[sflag:s25] =	ssyncset.done $0x0  }
0x8e: {  	[sflag:s25] =	ssyncadd.s32 $0xFFFFE000  }
0x8f: {  	[hbm4b:s8+s3] =	stream.linear.scatter [tilespmem:s17], [sflag:$0x5], $0x2000, $0x38;
	[tilespmem:$0xA100] =	vst v63  }
0x90: {  	_ =	swait.ge [sflag:s26], $0x2000  }
0x91: {  	[sflag:s26] =	ssyncset.done $0x0  }
0x92: {  	[sflag:s26] =	ssyncadd.s32 $0xFFFFE000  }
0x93: {  	[hbm4b:s10+s3] =	stream.linear.scatter [tilespmem:s22], [sflag:$0x5], $0x2000, $0x38;
	[tilespmem:$0xA100] =	vst v63  }
0x94: {  	_ =	swait.ge [sflag:s28], $0x2000  }
0x95: {  	[sflag:s28] =	ssyncset.done $0x0  }
0x96: {  	[sflag:s28] =	ssyncadd.s32 $0xFFFFE000  }
0x97: {  	[hbm4b:s11+s3] =	stream.linear.scatter [tilespmem:s23], [sflag:$0x5], $0x2000, $0x38;
	[tilespmem:$0xA100] =	vst v63  }
0x98: {  	_ =	swait.ge [sflag:s29], $0x2000  }
0x99: {  	[sflag:s29] =	ssyncset.done $0x0  }
0x9a: {  	[sflag:s29] =	ssyncadd.s32 $0xFFFFE000  }
0x9b: {  	[hbm4b:s12+s3] =	stream.linear.scatter [tilespmem:s24], [sflag:$0x5], $0x2000, $0x38;
	[tilespmem:$0xA100] =	vst v63  }
0x9c: {  	_ =	swait.ge [sflag:s21], $0x2000  }
0x9d: {  	[sflag:s21] =	ssyncset.done $0x0  }
0x9e: {  	[sflag:s21] =	ssyncadd.s32 $0xFFFFE000  }
0x9f: {  	_ =	swait.ge [sflag:s21], $0x2000  }
0xa0: {  	[sflag:s21] =	ssyncset.done $0x0  }
0xa1: {  	s30 =	sadd.s32 $0x1, s30;
	[sflag:s21] =	ssyncadd.s32 $0xFFFFE000  }
0xa2: {  	p0 =	sne.s32 s30, s13;
	_ =	swait.ge [sflag:s21], $0x2000  }
.Ltmp3:
0xa3: {  	[sflag:s21] =	ssyncset.done $0x0;
	(pc) =	sbr.rel @p0 .LBB2_1-.Ltmp3, $4  }
0xa4: {  	[sflag:s21] =	ssyncadd.s32 $0xFFFFE000  }
0xa5: {  	_ =	swait.ge [sflag:s21], $0x2000  }
0xa6: {  	[sflag:s21] =	ssyncset.done $0x0  }
0xa7: {  	[sflag:s21] =	ssyncadd.s32 $0xFFFFE000  }
0xa8: {  	_ =	sfence.sel $0x180000  }
0xa9: {  	[bflag:$0x0] =	sbarrier.arrive $0xFFFF  }
0xaa: {  	_ =	strace $0x90000047  }
0xab: {  	s0 =	stileid.u32;
	[bflag:$0x2] =	sbarrier.arrive $0xFFFF  }
0xac: {  	p0 =	sne.s32 s0, $0x0;
	s0 =	rddreg [dreg:$0x4]  }
0xad: {  	s0 =	sadd.s32 @!p0 $0x100000, s0  }
0xae: {  	[sflag:s0] =	ssyncadd.tile.s32 @!p0 $0x1;
	_ =	shalt  }
.Lfunc_end2:
_tile_overlayer_lowered:
.L_overlay_start_2:
0xaf: {  	(tag) =	ssettag $0x2  }
0xb0: {  	s0 =	rddreg [dreg:$0x0];
	s2 =	stileid.u32  }
0xb1: {  	s1 =	rddreg [dreg:$0x1];
	p0 =	sne.s32 s2, $0x0  }
0xb2: {  	s3 =	rddreg [dreg:$0x2];
	[bflag:$0x3] =	sbarrier.arrive $0xFFFF;
	s2 =	simm.s32 @!p0 $0x1C08  }
0xb3: {  	[timem:s3], [sflag:s2] =	dma.local @!p0 [hbm:s0], s1  }
0xb4: {  	s0 =	simm.s32 @!p0 $0x8  }
0xb5: {  	_ =	swait.ge @!p0 [sflag:s0], s1  }
0xb6: {  	s1 =	ssub.s32 @!p0 $0x0, s1;
	[sflag:s0] =	ssyncset.done @!p0 $0x0  }
0xb7: {  	[sflag:s0] =	ssyncadd.s32 @!p0 s1  }
0xb8: {  	[bflag:$0x3] =	sbarrier.arrive $0xFFFF  }
0xb9: {  	_ =	shalt  }

</sc_bundles>
